<compile_context>
chip_gen: v7x
topology: tpu7x:2x2x1
jax: 0.10.2.dev20260603
libtpu: 0.0.44.dev20260713+nightly
codegen_flags: <defaults>
</compile_context>

<pallas_src>
import jax
import jax.numpy as jnp
from jax import lax
from jax.experimental import pallas as pl
from jax.experimental.pallas import tpu as pltpu
from jax.experimental.pallas import tpu_sc as plsc
import functools

N = 10000
D = 256
NV = D // 16
S = 64
W = 80
NG = N // 16
NC = 2
NS = 16
NW = NC * NS
SPT = S // NW


def _sc_pool_body(x_hbm, b_hbm, out_hbm, bat_v, xw_v, out_v, sems):
    core = lax.axis_index("c")
    sid = lax.axis_index("s")
    wid = sid * NC + core
    s0 = wid * SPT

    pltpu.sync_copy(b_hbm, bat_v)

    thr = [jnp.full((16,), s0 + t, jnp.int32) for t in range(SPT + 1)]
    zi = jnp.zeros((16,), jnp.int32)

    def count_body(g5, accs):
        for u in range(5):
            v = bat_v[pl.ds((g5 * 5 + u) * 16, 16)]
            accs = tuple(a + jnp.minimum(jnp.maximum(t - v, 0), 1)
                         for a, t in zip(accs, thr))
        return accs

    accs = lax.fori_loop(0, NG // 5, count_body, (zi,) * (SPT + 1))

    def _hsum(a):
        t = a[0]
        for l in range(1, 16):
            t = t + a[l]
        return t

    cuts = [_hsum(a) for a in accs]

    zeros16 = jnp.zeros((16,), jnp.float32)
    for k in range(SPT):
        lo_row, hi_row = cuts[k], cuts[k + 1]
        num = hi_row - lo_row
        a0 = lo_row & ~7
        nwin = ((hi_row - a0 + (W - 1)) // W) * jnp.minimum(num, 1)

        def wbase(i):
            return pl.multiple_of(jnp.minimum(a0 + i * W, N - W), 8)

        @pl.when(num > 0)
        def _():
            pltpu.async_copy(x_hbm.at[pl.ds(wbase(0), W)], xw_v.at[0],
                             sems.at[0])

        def win_body(i, sums):
            buf = i & 1
            start = a0 + i * W
            base = wbase(i)
            pltpu.make_async_copy(x_hbm.at[pl.ds(base, W)],
                                  xw_v.at[buf], sems.at[buf]).wait()

            @pl.when(i + 1 < nwin)
            def _():
                pltpu.async_copy(x_hbm.at[pl.ds(wbase(i + 1), W)],
                                 xw_v.at[(i + 1) & 1], sems.at[(i + 1) & 1])

            lo_l = jnp.maximum(lo_row, start) - base
            hi_l = jnp.minimum(hi_row, start + W) - base

            def row_body(rl, sums2):
                vals = [xw_v[buf, rl, pl.ds(kk * 16, 16)]
                        for kk in range(NV)]
                return tuple(a + b for a, b in zip(sums2, vals))

            return lax.fori_loop(lo_l, hi_l, row_body, sums)

        sums = lax.fori_loop(0, nwin, win_body, (zeros16,) * NV)
        cnt16 = jnp.full((16,), jnp.maximum(num, 1),
                         jnp.int32).astype(jnp.float32)
        scale16 = jnp.full((16,), 1.0, jnp.float32) / cnt16
        for kk in range(NV):
            out_v[k, pl.ds(kk * 16, 16)] = sums[kk] * scale16

    pltpu.sync_copy(out_v, out_hbm.at[pl.ds(s0, SPT)])


_sc_pool = functools.partial(
    pl.kernel,
    out_type=[
        jax.ShapeDtypeStruct((S, D), jnp.float32),
    ],
    mesh=plsc.VectorSubcoreMesh(core_axis_name="c", subcore_axis_name="s"),
    scratch_types=[
        pltpu.VMEM((N,), jnp.int32),
        pltpu.VMEM((2, W, D), jnp.float32),
        pltpu.VMEM((SPT, D), jnp.float32),
        pltpu.SemaphoreType.DMA((2,)),
    ],
)(_sc_pool_body)


@jax.jit
def kernel(x, edge_index, batch):
    del edge_index
    (out,) = _sc_pool(x, batch.astype(jnp.int32))
    return out

# --- scband reference (transcript-rebuilt; emitter-appended) ---
"""Pipeline reference for scband-pool-8048768712837 (READ-ONLY COPY).

The authoritative reference and input builder live on the scoring server;
editing this copy changes nothing except your own understanding.
"""

import jax, jax.numpy as jnp
import numpy as np

NUM_GRAPHS = 64

def setup_inputs(seed: int = 0) -> dict:
    key = jax.random.key(seed)
    k1, k2, k3 = jax.random.split(key, 3)
    x = jax.random.normal(k1, (10000, 256), dtype=jnp.float32)
    edge_index = jax.random.randint(k2, (2, 160000), 0, 10000, dtype=jnp.int64)
    batch = jnp.sort(jax.random.randint(k3, (10000,), 0, NUM_GRAPHS, dtype=jnp.int64))
    return {"x": x, "edge_index": edge_index, "batch": batch}

def reference(x, edge_index, batch):
    # Pool.forward with type='mean_pool' -> global_mean_pool(x, batch).
    # edge_index is unused in this branch (only used for sag_pool),
    # kept as an argument for signature faithfulness.
    sums = jax.ops.segment_sum(x, batch, num_segments=NUM_GRAPHS)
    counts = jax.ops.segment_sum(jnp.ones((x.shape[0],), dtype=x.dtype), batch, num_segments=NUM_GRAPHS)
    counts = jnp.clip(counts, 1.0, None)
    return sums / counts[:, None]

if __name__ == "__main__":
    import jax
    _d = setup_inputs()
    print(jax.jit(kernel)(*tuple(_d.values())))

</pallas_src>

<mosaic_0001>
#map = affine_map<(d0, d1) -> (0, 0)>
#map1 = affine_map<(d0, d1) -> (0)>
module attributes {stable_mosaic.version = 14 : i64} {
  func.func @_sc_pool_body(%arg0: i32, %arg1: i32, %arg2: memref<10000x256xf32, #tpu.memory_space<hbm>>, %arg3: memref<10000xi32, #tpu.memory_space<hbm>>, %arg4: memref<64x256xf32, #tpu.memory_space<hbm>>, %arg5: memref<10000xi32, #tpu.memory_space<vmem>>, %arg6: memref<2x80x256xf32, #tpu.memory_space<vmem>>, %arg7: memref<2x256xf32, #tpu.memory_space<vmem>>, %arg8: memref<2x!tpu.dma_semaphore, #tpu.memory_space<semaphore_mem>>) attributes {dimension_semantics = [#tpu.dimension_semantics<core_parallel>, #tpu.dimension_semantics<subcore_parallel>], iteration_bounds = array<i64: 2, 16>, scalar_prefetch = 0 : i64, scratch_operands = 4 : i64, tpu.core_type = #tpu.core_type<sc_vector_subcore>, window_params = [{transform_indices = #map}, {transform_indices = #map1}, {transform_indices = #map}]} {
    %mul3A = arith.constant 2 : i32
    %mul3A_0 = arith.muli %arg1, %mul3A : i32
    %add3A = arith.addi %mul3A_0, %arg0 : i32
    %mul3A_1 = arith.constant 2 : i32
    %mul3A_2 = arith.muli %add3A, %mul3A_1 : i32
    "tpu.region"() ({
      %run_scoped3A = tpu.sem_alloc : memref<!tpu.dma_semaphore, #tpu.memory_space<semaphore_mem>>
      tpu.enqueue_dma source(%arg3 : memref<10000xi32, #tpu.memory_space<hbm>>) target(%arg5 : memref<10000xi32, #tpu.memory_space<vmem>>) target_semaphore(%run_scoped3A : memref<!tpu.dma_semaphore, #tpu.memory_space<semaphore_mem>>)
      tpu.wait_dma2 semaphore(%run_scoped3A : memref<!tpu.dma_semaphore, #tpu.memory_space<semaphore_mem>>) src(%arg3 : memref<10000xi32, #tpu.memory_space<hbm>>) dst(%arg5 : memref<10000xi32, #tpu.memory_space<vmem>>)
      tpu.yield
    }) : () -> ()
    %add3A_3 = arith.constant 0 : i32
    %add3A_4 = arith.addi %mul3A_2, %add3A_3 : i32
    %broadcast_in_dim3A = vector.broadcast %add3A_4 : i32 to vector<16xi32>
    %add3A_5 = arith.constant 1 : i32
    %add3A_6 = arith.addi %mul3A_2, %add3A_5 : i32
    %broadcast_in_dim3A_7 = vector.broadcast %add3A_6 : i32 to vector<16xi32>
    %add3A_8 = arith.constant 2 : i32
    %add3A_9 = arith.addi %mul3A_2, %add3A_8 : i32
    %broadcast_in_dim3A_10 = vector.broadcast %add3A_9 : i32 to vector<16xi32>
    %broadcast_in_dim3A_11 = arith.constant 0 : i32
    %broadcast_in_dim3A_12 = vector.broadcast %broadcast_in_dim3A_11 : i32 to vector<16xi32>
    %scan3A = arith.constant 0 : i32
    %scan3A_13 = arith.constant 125 : i32
    %scan3A_14 = arith.addi %scan3A, %scan3A_13 : i32
    %scan3A_15 = arith.constant 1 : i32
    %scan3A_16:3 = scf.for %scan3A_480 = %scan3A to %scan3A_14 step %scan3A_15 iter_args(%scan3A_481 = %broadcast_in_dim3A_12, %scan3A_482 = %broadcast_in_dim3A_12, %scan3A_483 = %broadcast_in_dim3A_12) -> (vector<16xi32>, vector<16xi32>, vector<16xi32>)  : i32 {
      %mul3A_484 = arith.constant 5 : i32
      %mul3A_485 = arith.muli %scan3A_480, %mul3A_484 : i32
      %add3A_486 = arith.constant 0 : i32
      %add3A_487 = arith.addi %mul3A_485, %add3A_486 : i32
      %mul3A_488 = arith.constant 16 : i32
      %mul3A_489 = arith.muli %add3A_487, %mul3A_488 : i32
      %get3A = arith.index_cast %mul3A_489 : i32 to index
      %get3A_490 = tpu.vector_load %arg5[%get3A] {strides = array<i32>} : memref<10000xi32, #tpu.memory_space<vmem>>, vector<16xi32>,
      %get3A_491 = vector.shape_cast %get3A_490 : vector<16xi32> to vector<16xi32>
      %sub3A_492 = arith.subi %broadcast_in_dim3A, %get3A_491 : vector<16xi32>
      %max3A_493 = arith.constant 0 : i32
      %max3A_494 = vector.broadcast %max3A_493 : i32 to vector<16xi32>
      %max3A_495 = arith.maxsi %sub3A_492, %max3A_494 : vector<16xi32>
      %min3A_496 = arith.constant 1 : i32
      %min3A_497 = vector.broadcast %min3A_496 : i32 to vector<16xi32>
      %min3A_498 = arith.minsi %max3A_495, %min3A_497 : vector<16xi32>
      %add3A_499 = arith.addi %scan3A_481, %min3A_498 : vector<16xi32>
      %sub3A_500 = arith.subi %broadcast_in_dim3A_7, %get3A_491 : vector<16xi32>
      %max3A_501 = arith.constant 0 : i32
      %max3A_502 = vector.broadcast %max3A_501 : i32 to vector<16xi32>
      %max3A_503 = arith.maxsi %sub3A_500, %max3A_502 : vector<16xi32>
      %min3A_504 = arith.constant 1 : i32
      %min3A_505 = vector.broadcast %min3A_504 : i32 to vector<16xi32>
      %min3A_506 = arith.minsi %max3A_503, %min3A_505 : vector<16xi32>
      %add3A_507 = arith.addi %scan3A_482, %min3A_506 : vector<16xi32>
      %sub3A_508 = arith.subi %broadcast_in_dim3A_10, %get3A_491 : vector<16xi32>
      %max3A_509 = arith.constant 0 : i32
      %max3A_510 = vector.broadcast %max3A_509 : i32 to vector<16xi32>
      %max3A_511 = arith.maxsi %sub3A_508, %max3A_510 : vector<16xi32>
      %min3A_512 = arith.constant 1 : i32
      %min3A_513 = vector.broadcast %min3A_512 : i32 to vector<16xi32>
      %min3A_514 = arith.minsi %max3A_511, %min3A_513 : vector<16xi32>
      %add3A_515 = arith.addi %scan3A_483, %min3A_514 : vector<16xi32>
      %mul3A_516 = arith.constant 5 : i32
      %mul3A_517 = arith.muli %scan3A_480, %mul3A_516 : i32
      %add3A_518 = arith.constant 1 : i32
      %add3A_519 = arith.addi %mul3A_517, %add3A_518 : i32
      %mul3A_520 = arith.constant 16 : i32
      %mul3A_521 = arith.muli %add3A_519, %mul3A_520 : i32
      %get3A_522 = arith.index_cast %mul3A_521 : i32 to index
      %get3A_523 = tpu.vector_load %arg5[%get3A_522] {strides = array<i32>} : memref<10000xi32, #tpu.memory_space<vmem>>, vector<16xi32>,
      %get3A_524 = vector.shape_cast %get3A_523 : vector<16xi32> to vector<16xi32>
      %sub3A_525 = arith.subi %broadcast_in_dim3A, %get3A_524 : vector<16xi32>
      %max3A_526 = arith.constant 0 : i32
      %max3A_527 = vector.broadcast %max3A_526 : i32 to vector<16xi32>
      %max3A_528 = arith.maxsi %sub3A_525, %max3A_527 : vector<16xi32>
      %min3A_529 = arith.constant 1 : i32
      %min3A_530 = vector.broadcast %min3A_529 : i32 to vector<16xi32>
      %min3A_531 = arith.minsi %max3A_528, %min3A_530 : vector<16xi32>
      %add3A_532 = arith.addi %add3A_499, %min3A_531 : vector<16xi32>
      %sub3A_533 = arith.subi %broadcast_in_dim3A_7, %get3A_524 : vector<16xi32>
      %max3A_534 = arith.constant 0 : i32
      %max3A_535 = vector.broadcast %max3A_534 : i32 to vector<16xi32>
      %max3A_536 = arith.maxsi %sub3A_533, %max3A_535 : vector<16xi32>
      %min3A_537 = arith.constant 1 : i32
      %min3A_538 = vector.broadcast %min3A_537 : i32 to vector<16xi32>
      %min3A_539 = arith.minsi %max3A_536, %min3A_538 : vector<16xi32>
      %add3A_540 = arith.addi %add3A_507, %min3A_539 : vector<16xi32>
      %sub3A_541 = arith.subi %broadcast_in_dim3A_10, %get3A_524 : vector<16xi32>
      %max3A_542 = arith.constant 0 : i32
      %max3A_543 = vector.broadcast %max3A_542 : i32 to vector<16xi32>
      %max3A_544 = arith.maxsi %sub3A_541, %max3A_543 : vector<16xi32>
      %min3A_545 = arith.constant 1 : i32
      %min3A_546 = vector.broadcast %min3A_545 : i32 to vector<16xi32>
      %min3A_547 = arith.minsi %max3A_544, %min3A_546 : vector<16xi32>
      %add3A_548 = arith.addi %add3A_515, %min3A_547 : vector<16xi32>
      %mul3A_549 = arith.constant 5 : i32
      %mul3A_550 = arith.muli %scan3A_480, %mul3A_549 : i32
      %add3A_551 = arith.constant 2 : i32
      %add3A_552 = arith.addi %mul3A_550, %add3A_551 : i32
      %mul3A_553 = arith.constant 16 : i32
      %mul3A_554 = arith.muli %add3A_552, %mul3A_553 : i32
      %get3A_555 = arith.index_cast %mul3A_554 : i32 to index
      %get3A_556 = tpu.vector_load %arg5[%get3A_555] {strides = array<i32>} : memref<10000xi32, #tpu.memory_space<vmem>>, vector<16xi32>,
      %get3A_557 = vector.shape_cast %get3A_556 : vector<16xi32> to vector<16xi32>
      %sub3A_558 = arith.subi %broadcast_in_dim3A, %get3A_557 : vector<16xi32>
      %max3A_559 = arith.constant 0 : i32
      %max3A_560 = vector.broadcast %max3A_559 : i32 to vector<16xi32>
      %max3A_561 = arith.maxsi %sub3A_558, %max3A_560 : vector<16xi32>
      %min3A_562 = arith.constant 1 : i32
      %min3A_563 = vector.broadcast %min3A_562 : i32 to vector<16xi32>
      %min3A_564 = arith.minsi %max3A_561, %min3A_563 : vector<16xi32>
      %add3A_565 = arith.addi %add3A_532, %min3A_564 : vector<16xi32>
      %sub3A_566 = arith.subi %broadcast_in_dim3A_7, %get3A_557 : vector<16xi32>
      %max3A_567 = arith.constant 0 : i32
      %max3A_568 = vector.broadcast %max3A_567 : i32 to vector<16xi32>
      %max3A_569 = arith.maxsi %sub3A_566, %max3A_568 : vector<16xi32>
      %min3A_570 = arith.constant 1 : i32
      %min3A_571 = vector.broadcast %min3A_570 : i32 to vector<16xi32>
      %min3A_572 = arith.minsi %max3A_569, %min3A_571 : vector<16xi32>
      %add3A_573 = arith.addi %add3A_540, %min3A_572 : vector<16xi32>
      %sub3A_574 = arith.subi %broadcast_in_dim3A_10, %get3A_557 : vector<16xi32>
      %max3A_575 = arith.constant 0 : i32
      %max3A_576 = vector.broadcast %max3A_575 : i32 to vector<16xi32>
      %max3A_577 = arith.maxsi %sub3A_574, %max3A_576 : vector<16xi32>
      %min3A_578 = arith.constant 1 : i32
      %min3A_579 = vector.broadcast %min3A_578 : i32 to vector<16xi32>
      %min3A_580 = arith.minsi %max3A_577, %min3A_579 : vector<16xi32>
      %add3A_581 = arith.addi %add3A_548, %min3A_580 : vector<16xi32>
      %mul3A_582 = arith.constant 5 : i32
      %mul3A_583 = arith.muli %scan3A_480, %mul3A_582 : i32
      %add3A_584 = arith.constant 3 : i32
      %add3A_585 = arith.addi %mul3A_583, %add3A_584 : i32
      %mul3A_586 = arith.constant 16 : i32
      %mul3A_587 = arith.muli %add3A_585, %mul3A_586 : i32
      %get3A_588 = arith.index_cast %mul3A_587 : i32 to index
      %get3A_589 = tpu.vector_load %arg5[%get3A_588] {strides = array<i32>} : memref<10000xi32, #tpu.memory_space<vmem>>, vector<16xi32>,
      %get3A_590 = vector.shape_cast %get3A_589 : vector<16xi32> to vector<16xi32>
      %sub3A_591 = arith.subi %broadcast_in_dim3A, %get3A_590 : vector<16xi32>
      %max3A_592 = arith.constant 0 : i32
      %max3A_593 = vector.broadcast %max3A_592 : i32 to vector<16xi32>
      %max3A_594 = arith.maxsi %sub3A_591, %max3A_593 : vector<16xi32>
      %min3A_595 = arith.constant 1 : i32
      %min3A_596 = vector.broadcast %min3A_595 : i32 to vector<16xi32>
      %min3A_597 = arith.minsi %max3A_594, %min3A_596 : vector<16xi32>
      %add3A_598 = arith.addi %add3A_565, %min3A_597 : vector<16xi32>
      %sub3A_599 = arith.subi %broadcast_in_dim3A_7, %get3A_590 : vector<16xi32>
      %max3A_600 = arith.constant 0 : i32
      %max3A_601 = vector.broadcast %max3A_600 : i32 to vector<16xi32>
      %max3A_602 = arith.maxsi %sub3A_599, %max3A_601 : vector<16xi32>
      %min3A_603 = arith.constant 1 : i32
      %min3A_604 = vector.broadcast %min3A_603 : i32 to vector<16xi32>
      %min3A_605 = arith.minsi %max3A_602, %min3A_604 : vector<16xi32>
      %add3A_606 = arith.addi %add3A_573, %min3A_605 : vector<16xi32>
      %sub3A_607 = arith.subi %broadcast_in_dim3A_10, %get3A_590 : vector<16xi32>
      %max3A_608 = arith.constant 0 : i32
      %max3A_609 = vector.broadcast %max3A_608 : i32 to vector<16xi32>
      %max3A_610 = arith.maxsi %sub3A_607, %max3A_609 : vector<16xi32>
      %min3A_611 = arith.constant 1 : i32
      %min3A_612 = vector.broadcast %min3A_611 : i32 to vector<16xi32>
      %min3A_613 = arith.minsi %max3A_610, %min3A_612 : vector<16xi32>
      %add3A_614 = arith.addi %add3A_581, %min3A_613 : vector<16xi32>
      %mul3A_615 = arith.constant 5 : i32
      %mul3A_616 = arith.muli %scan3A_480, %mul3A_615 : i32
      %add3A_617 = arith.constant 4 : i32
      %add3A_618 = arith.addi %mul3A_616, %add3A_617 : i32
      %mul3A_619 = arith.constant 16 : i32
      %mul3A_620 = arith.muli %add3A_618, %mul3A_619 : i32
      %get3A_621 = arith.index_cast %mul3A_620 : i32 to index
      %get3A_622 = tpu.vector_load %arg5[%get3A_621] {strides = array<i32>} : memref<10000xi32, #tpu.memory_space<vmem>>, vector<16xi32>,
      %get3A_623 = vector.shape_cast %get3A_622 : vector<16xi32> to vector<16xi32>
      %sub3A_624 = arith.subi %broadcast_in_dim3A, %get3A_623 : vector<16xi32>
      %max3A_625 = arith.constant 0 : i32
      %max3A_626 = vector.broadcast %max3A_625 : i32 to vector<16xi32>
      %max3A_627 = arith.maxsi %sub3A_624, %max3A_626 : vector<16xi32>
      %min3A_628 = arith.constant 1 : i32
      %min3A_629 = vector.broadcast %min3A_628 : i32 to vector<16xi32>
      %min3A_630 = arith.minsi %max3A_627, %min3A_629 : vector<16xi32>
      %add3A_631 = arith.addi %add3A_598, %min3A_630 : vector<16xi32>
      %sub3A_632 = arith.subi %broadcast_in_dim3A_7, %get3A_623 : vector<16xi32>
      %max3A_633 = arith.constant 0 : i32
      %max3A_634 = vector.broadcast %max3A_633 : i32 to vector<16xi32>
      %max3A_635 = arith.maxsi %sub3A_632, %max3A_634 : vector<16xi32>
      %min3A_636 = arith.constant 1 : i32
      %min3A_637 = vector.broadcast %min3A_636 : i32 to vector<16xi32>
      %min3A_638 = arith.minsi %max3A_635, %min3A_637 : vector<16xi32>
      %add3A_639 = arith.addi %add3A_606, %min3A_638 : vector<16xi32>
      %sub3A_640 = arith.subi %broadcast_in_dim3A_10, %get3A_623 : vector<16xi32>
      %max3A_641 = arith.constant 0 : i32
      %max3A_642 = vector.broadcast %max3A_641 : i32 to vector<16xi32>
      %max3A_643 = arith.maxsi %sub3A_640, %max3A_642 : vector<16xi32>
      %min3A_644 = arith.constant 1 : i32
      %min3A_645 = vector.broadcast %min3A_644 : i32 to vector<16xi32>
      %min3A_646 = arith.minsi %max3A_643, %min3A_645 : vector<16xi32>
      %add3A_647 = arith.addi %add3A_614, %min3A_646 : vector<16xi32>
      scf.yield %add3A_631, %add3A_639, %add3A_647 : vector<16xi32>, vector<16xi32>, vector<16xi32>
    }
    %scan3A_17 = arith.constant 125 : i32
    %slice3A = vector.extract_strided_slice %scan3A_16#0 {offsets = [0], sizes = [1], strides = [1]} : vector<16xi32> to vector<1xi32>
    %squeeze3A = vector.extract %slice3A[0] : i32 from vector<1xi32>
    %slice3A_18 = vector.extract_strided_slice %scan3A_16#0 {offsets = [1], sizes = [1], strides = [1]} : vector<16xi32> to vector<1xi32>
    %squeeze3A_19 = vector.extract %slice3A_18[0] : i32 from vector<1xi32>
    %add3A_20 = arith.addi %squeeze3A, %squeeze3A_19 : i32
    %slice3A_21 = vector.extract_strided_slice %scan3A_16#0 {offsets = [2], sizes = [1], strides = [1]} : vector<16xi32> to vector<1xi32>
    %squeeze3A_22 = vector.extract %slice3A_21[0] : i32 from vector<1xi32>
    %add3A_23 = arith.addi %add3A_20, %squeeze3A_22 : i32
    %slice3A_24 = vector.extract_strided_slice %scan3A_16#0 {offsets = [3], sizes = [1], strides = [1]} : vector<16xi32> to vector<1xi32>
    %squeeze3A_25 = vector.extract %slice3A_24[0] : i32 from vector<1xi32>
    %add3A_26 = arith.addi %add3A_23, %squeeze3A_25 : i32
    %slice3A_27 = vector.extract_strided_slice %scan3A_16#0 {offsets = [4], sizes = [1], strides = [1]} : vector<16xi32> to vector<1xi32>
    %squeeze3A_28 = vector.extract %slice3A_27[0] : i32 from vector<1xi32>
    %add3A_29 = arith.addi %add3A_26, %squeeze3A_28 : i32
    %slice3A_30 = vector.extract_strided_slice %scan3A_16#0 {offsets = [5], sizes = [1], strides = [1]} : vector<16xi32> to vector<1xi32>
    %squeeze3A_31 = vector.extract %slice3A_30[0] : i32 from vector<1xi32>
    %add3A_32 = arith.addi %add3A_29, %squeeze3A_31 : i32
    %slice3A_33 = vector.extract_strided_slice %scan3A_16#0 {offsets = [6], sizes = [1], strides = [1]} : vector<16xi32> to vector<1xi32>
    %squeeze3A_34 = vector.extract %slice3A_33[0] : i32 from vector<1xi32>
    %add3A_35 = arith.addi %add3A_32, %squeeze3A_34 : i32
    %slice3A_36 = vector.extract_strided_slice %scan3A_16#0 {offsets = [7], sizes = [1], strides = [1]} : vector<16xi32> to vector<1xi32>
    %squeeze3A_37 = vector.extract %slice3A_36[0] : i32 from vector<1xi32>
    %add3A_38 = arith.addi %add3A_35, %squeeze3A_37 : i32
    %slice3A_39 = vector.extract_strided_slice %scan3A_16#0 {offsets = [8], sizes = [1], strides = [1]} : vector<16xi32> to vector<1xi32>
    %squeeze3A_40 = vector.extract %slice3A_39[0] : i32 from vector<1xi32>
    %add3A_41 = arith.addi %add3A_38, %squeeze3A_40 : i32
    %slice3A_42 = vector.extract_strided_slice %scan3A_16#0 {offsets = [9], sizes = [1], strides = [1]} : vector<16xi32> to vector<1xi32>
    %squeeze3A_43 = vector.extract %slice3A_42[0] : i32 from vector<1xi32>
    %add3A_44 = arith.addi %add3A_41, %squeeze3A_43 : i32
    %slice3A_45 = vector.extract_strided_slice %scan3A_16#0 {offsets = [10], sizes = [1], strides = [1]} : vector<16xi32> to vector<1xi32>
    %squeeze3A_46 = vector.extract %slice3A_45[0] : i32 from vector<1xi32>
    %add3A_47 = arith.addi %add3A_44, %squeeze3A_46 : i32
    %slice3A_48 = vector.extract_strided_slice %scan3A_16#0 {offsets = [11], sizes = [1], strides = [1]} : vector<16xi32> to vector<1xi32>
    %squeeze3A_49 = vector.extract %slice3A_48[0] : i32 from vector<1xi32>
    %add3A_50 = arith.addi %add3A_47, %squeeze3A_49 : i32
    %slice3A_51 = vector.extract_strided_slice %scan3A_16#0 {offsets = [12], sizes = [1], strides = [1]} : vector<16xi32> to vector<1xi32>
    %squeeze3A_52 = vector.extract %slice3A_51[0] : i32 from vector<1xi32>
    %add3A_53 = arith.addi %add3A_50, %squeeze3A_52 : i32
    %slice3A_54 = vector.extract_strided_slice %scan3A_16#0 {offsets = [13], sizes = [1], strides = [1]} : vector<16xi32> to vector<1xi32>
    %squeeze3A_55 = vector.extract %slice3A_54[0] : i32 from vector<1xi32>
    %add3A_56 = arith.addi %add3A_53, %squeeze3A_55 : i32
    %slice3A_57 = vector.extract_strided_slice %scan3A_16#0 {offsets = [14], sizes = [1], strides = [1]} : vector<16xi32> to vector<1xi32>
    %squeeze3A_58 = vector.extract %slice3A_57[0] : i32 from vector<1xi32>
    %add3A_59 = arith.addi %add3A_56, %squeeze3A_58 : i32
    %slice3A_60 = vector.extract_strided_slice %scan3A_16#0 {offsets = [15], sizes = [1], strides = [1]} : vector<16xi32> to vector<1xi32>
    %squeeze3A_61 = vector.extract %slice3A_60[0] : i32 from vector<1xi32>
    %add3A_62 = arith.addi %add3A_59, %squeeze3A_61 : i32
    %slice3A_63 = vector.extract_strided_slice %scan3A_16#1 {offsets = [0], sizes = [1], strides = [1]} : vector<16xi32> to vector<1xi32>
    %squeeze3A_64 = vector.extract %slice3A_63[0] : i32 from vector<1xi32>
    %slice3A_65 = vector.extract_strided_slice %scan3A_16#1 {offsets = [1], sizes = [1], strides = [1]} : vector<16xi32> to vector<1xi32>
    %squeeze3A_66 = vector.extract %slice3A_65[0] : i32 from vector<1xi32>
    %add3A_67 = arith.addi %squeeze3A_64, %squeeze3A_66 : i32
    %slice3A_68 = vector.extract_strided_slice %scan3A_16#1 {offsets = [2], sizes = [1], strides = [1]} : vector<16xi32> to vector<1xi32>
    %squeeze3A_69 = vector.extract %slice3A_68[0] : i32 from vector<1xi32>
    %add3A_70 = arith.addi %add3A_67, %squeeze3A_69 : i32
    %slice3A_71 = vector.extract_strided_slice %scan3A_16#1 {offsets = [3], sizes = [1], strides = [1]} : vector<16xi32> to vector<1xi32>
    %squeeze3A_72 = vector.extract %slice3A_71[0] : i32 from vector<1xi32>
    %add3A_73 = arith.addi %add3A_70, %squeeze3A_72 : i32
    %slice3A_74 = vector.extract_strided_slice %scan3A_16#1 {offsets = [4], sizes = [1], strides = [1]} : vector<16xi32> to vector<1xi32>
    %squeeze3A_75 = vector.extract %slice3A_74[0] : i32 from vector<1xi32>
    %add3A_76 = arith.addi %add3A_73, %squeeze3A_75 : i32
    %slice3A_77 = vector.extract_strided_slice %scan3A_16#1 {offsets = [5], sizes = [1], strides = [1]} : vector<16xi32> to vector<1xi32>
    %squeeze3A_78 = vector.extract %slice3A_77[0] : i32 from vector<1xi32>
    %add3A_79 = arith.addi %add3A_76, %squeeze3A_78 : i32
    %slice3A_80 = vector.extract_strided_slice %scan3A_16#1 {offsets = [6], sizes = [1], strides = [1]} : vector<16xi32> to vector<1xi32>
    %squeeze3A_81 = vector.extract %slice3A_80[0] : i32 from vector<1xi32>
    %add3A_82 = arith.addi %add3A_79, %squeeze3A_81 : i32
    %slice3A_83 = vector.extract_strided_slice %scan3A_16#1 {offsets = [7], sizes = [1], strides = [1]} : vector<16xi32> to vector<1xi32>
    %squeeze3A_84 = vector.extract %slice3A_83[0] : i32 from vector<1xi32>
    %add3A_85 = arith.addi %add3A_82, %squeeze3A_84 : i32
    %slice3A_86 = vector.extract_strided_slice %scan3A_16#1 {offsets = [8], sizes = [1], strides = [1]} : vector<16xi32> to vector<1xi32>
    %squeeze3A_87 = vector.extract %slice3A_86[0] : i32 from vector<1xi32>
    %add3A_88 = arith.addi %add3A_85, %squeeze3A_87 : i32
    %slice3A_89 = vector.extract_strided_slice %scan3A_16#1 {offsets = [9], sizes = [1], strides = [1]} : vector<16xi32> to vector<1xi32>
    %squeeze3A_90 = vector.extract %slice3A_89[0] : i32 from vector<1xi32>
    %add3A_91 = arith.addi %add3A_88, %squeeze3A_90 : i32
    %slice3A_92 = vector.extract_strided_slice %scan3A_16#1 {offsets = [10], sizes = [1], strides = [1]} : vector<16xi32> to vector<1xi32>
    %squeeze3A_93 = vector.extract %slice3A_92[0] : i32 from vector<1xi32>
    %add3A_94 = arith.addi %add3A_91, %squeeze3A_93 : i32
    %slice3A_95 = vector.extract_strided_slice %scan3A_16#1 {offsets = [11], sizes = [1], strides = [1]} : vector<16xi32> to vector<1xi32>
    %squeeze3A_96 = vector.extract %slice3A_95[0] : i32 from vector<1xi32>
    %add3A_97 = arith.addi %add3A_94, %squeeze3A_96 : i32
    %slice3A_98 = vector.extract_strided_slice %scan3A_16#1 {offsets = [12], sizes = [1], strides = [1]} : vector<16xi32> to vector<1xi32>
    %squeeze3A_99 = vector.extract %slice3A_98[0] : i32 from vector<1xi32>
    %add3A_100 = arith.addi %add3A_97, %squeeze3A_99 : i32
    %slice3A_101 = vector.extract_strided_slice %scan3A_16#1 {offsets = [13], sizes = [1], strides = [1]} : vector<16xi32> to vector<1xi32>
    %squeeze3A_102 = vector.extract %slice3A_101[0] : i32 from vector<1xi32>
    %add3A_103 = arith.addi %add3A_100, %squeeze3A_102 : i32
    %slice3A_104 = vector.extract_strided_slice %scan3A_16#1 {offsets = [14], sizes = [1], strides = [1]} : vector<16xi32> to vector<1xi32>
    %squeeze3A_105 = vector.extract %slice3A_104[0] : i32 from vector<1xi32>
    %add3A_106 = arith.addi %add3A_103, %squeeze3A_105 : i32
    %slice3A_107 = vector.extract_strided_slice %scan3A_16#1 {offsets = [15], sizes = [1], strides = [1]} : vector<16xi32> to vector<1xi32>
    %squeeze3A_108 = vector.extract %slice3A_107[0] : i32 from vector<1xi32>
    %add3A_109 = arith.addi %add3A_106, %squeeze3A_108 : i32
    %slice3A_110 = vector.extract_strided_slice %scan3A_16#2 {offsets = [0], sizes = [1], strides = [1]} : vector<16xi32> to vector<1xi32>
    %squeeze3A_111 = vector.extract %slice3A_110[0] : i32 from vector<1xi32>
    %slice3A_112 = vector.extract_strided_slice %scan3A_16#2 {offsets = [1], sizes = [1], strides = [1]} : vector<16xi32> to vector<1xi32>
    %squeeze3A_113 = vector.extract %slice3A_112[0] : i32 from vector<1xi32>
    %add3A_114 = arith.addi %squeeze3A_111, %squeeze3A_113 : i32
    %slice3A_115 = vector.extract_strided_slice %scan3A_16#2 {offsets = [2], sizes = [1], strides = [1]} : vector<16xi32> to vector<1xi32>
    %squeeze3A_116 = vector.extract %slice3A_115[0] : i32 from vector<1xi32>
    %add3A_117 = arith.addi %add3A_114, %squeeze3A_116 : i32
    %slice3A_118 = vector.extract_strided_slice %scan3A_16#2 {offsets = [3], sizes = [1], strides = [1]} : vector<16xi32> to vector<1xi32>
    %squeeze3A_119 = vector.extract %slice3A_118[0] : i32 from vector<1xi32>
    %add3A_120 = arith.addi %add3A_117, %squeeze3A_119 : i32
    %slice3A_121 = vector.extract_strided_slice %scan3A_16#2 {offsets = [4], sizes = [1], strides = [1]} : vector<16xi32> to vector<1xi32>
    %squeeze3A_122 = vector.extract %slice3A_121[0] : i32 from vector<1xi32>
    %add3A_123 = arith.addi %add3A_120, %squeeze3A_122 : i32
    %slice3A_124 = vector.extract_strided_slice %scan3A_16#2 {offsets = [5], sizes = [1], strides = [1]} : vector<16xi32> to vector<1xi32>
    %squeeze3A_125 = vector.extract %slice3A_124[0] : i32 from vector<1xi32>
    %add3A_126 = arith.addi %add3A_123, %squeeze3A_125 : i32
    %slice3A_127 = vector.extract_strided_slice %scan3A_16#2 {offsets = [6], sizes = [1], strides = [1]} : vector<16xi32> to vector<1xi32>
    %squeeze3A_128 = vector.extract %slice3A_127[0] : i32 from vector<1xi32>
    %add3A_129 = arith.addi %add3A_126, %squeeze3A_128 : i32
    %slice3A_130 = vector.extract_strided_slice %scan3A_16#2 {offsets = [7], sizes = [1], strides = [1]} : vector<16xi32> to vector<1xi32>
    %squeeze3A_131 = vector.extract %slice3A_130[0] : i32 from vector<1xi32>
    %add3A_132 = arith.addi %add3A_129, %squeeze3A_131 : i32
    %slice3A_133 = vector.extract_strided_slice %scan3A_16#2 {offsets = [8], sizes = [1], strides = [1]} : vector<16xi32> to vector<1xi32>
    %squeeze3A_134 = vector.extract %slice3A_133[0] : i32 from vector<1xi32>
    %add3A_135 = arith.addi %add3A_132, %squeeze3A_134 : i32
    %slice3A_136 = vector.extract_strided_slice %scan3A_16#2 {offsets = [9], sizes = [1], strides = [1]} : vector<16xi32> to vector<1xi32>
    %squeeze3A_137 = vector.extract %slice3A_136[0] : i32 from vector<1xi32>
    %add3A_138 = arith.addi %add3A_135, %squeeze3A_137 : i32
    %slice3A_139 = vector.extract_strided_slice %scan3A_16#2 {offsets = [10], sizes = [1], strides = [1]} : vector<16xi32> to vector<1xi32>
    %squeeze3A_140 = vector.extract %slice3A_139[0] : i32 from vector<1xi32>
    %add3A_141 = arith.addi %add3A_138, %squeeze3A_140 : i32
    %slice3A_142 = vector.extract_strided_slice %scan3A_16#2 {offsets = [11], sizes = [1], strides = [1]} : vector<16xi32> to vector<1xi32>
    %squeeze3A_143 = vector.extract %slice3A_142[0] : i32 from vector<1xi32>
    %add3A_144 = arith.addi %add3A_141, %squeeze3A_143 : i32
    %slice3A_145 = vector.extract_strided_slice %scan3A_16#2 {offsets = [12], sizes = [1], strides = [1]} : vector<16xi32> to vector<1xi32>
    %squeeze3A_146 = vector.extract %slice3A_145[0] : i32 from vector<1xi32>
    %add3A_147 = arith.addi %add3A_144, %squeeze3A_146 : i32
    %slice3A_148 = vector.extract_strided_slice %scan3A_16#2 {offsets = [13], sizes = [1], strides = [1]} : vector<16xi32> to vector<1xi32>
    %squeeze3A_149 = vector.extract %slice3A_148[0] : i32 from vector<1xi32>
    %add3A_150 = arith.addi %add3A_147, %squeeze3A_149 : i32
    %slice3A_151 = vector.extract_strided_slice %scan3A_16#2 {offsets = [14], sizes = [1], strides = [1]} : vector<16xi32> to vector<1xi32>
    %squeeze3A_152 = vector.extract %slice3A_151[0] : i32 from vector<1xi32>
    %add3A_153 = arith.addi %add3A_150, %squeeze3A_152 : i32
    %slice3A_154 = vector.extract_strided_slice %scan3A_16#2 {offsets = [15], sizes = [1], strides = [1]} : vector<16xi32> to vector<1xi32>
    %squeeze3A_155 = vector.extract %slice3A_154[0] : i32 from vector<1xi32>
    %add3A_156 = arith.addi %add3A_153, %squeeze3A_155 : i32
    %broadcast_in_dim3A_157 = arith.constant 0.000000e+00 : f32
    %broadcast_in_dim3A_158 = vector.broadcast %broadcast_in_dim3A_157 : f32 to vector<16xf32>
    %sub3A = arith.subi %add3A_109, %add3A_62 : i32
    %and3A = arith.constant -8 : i32
    %and3A_159 = arith.andi %add3A_62, %and3A : i32
    %sub3A_160 = arith.subi %add3A_109, %and3A_159 : i32
    %add3A_161 = arith.constant 79 : i32
    %add3A_162 = arith.addi %sub3A_160, %add3A_161 : i32
    %jit3A = arith.constant 80 : i32
    %div3A = arith.divsi %add3A_162, %jit3A : i32
    %sign3A = arith.constant 0 : i32
    %sign3A_163 = arith.cmpi sgt, %add3A_162, %sign3A : i32
    %sign3A_164 = arith.extui %sign3A_163 : i1 to i32
    %sign3A_165 = arith.constant 0 : i32
    %sign3A_166 = arith.cmpi slt, %add3A_162, %sign3A_165 : i32
    %sign3A_167 = arith.extui %sign3A_166 : i1 to i32
    %sign3A_168 = arith.subi %sign3A_164, %sign3A_167 : i32
    %sign3A_169 = arith.constant 0 : i32
    %sign3A_170 = arith.cmpi sgt, %jit3A, %sign3A_169 : i32
    %sign3A_171 = arith.extui %sign3A_170 : i1 to i32
    %sign3A_172 = arith.constant 0 : i32
    %sign3A_173 = arith.cmpi slt, %jit3A, %sign3A_172 : i32
    %sign3A_174 = arith.extui %sign3A_173 : i1 to i32
    %sign3A_175 = arith.subi %sign3A_171, %sign3A_174 : i32
    %ne3A = arith.cmpi ne, %sign3A_168, %sign3A_175 : i32
    %rem3A = arith.remsi %add3A_162, %jit3A : i32
    %ne3A_176 = arith.constant 0 : i32
    %ne3A_177 = arith.cmpi ne, %rem3A, %ne3A_176 : i32
    %and3A_178 = arith.andi %ne3A, %ne3A_177 : i1
    %sub3A_179 = arith.constant 1 : i32
    %sub3A_180 = arith.subi %div3A, %sub3A_179 : i32
    %select_n3A = arith.select %and3A_178, %sub3A_180, %div3A : i32
    %min3A = arith.constant 1 : i32
    %min3A_181 = arith.minsi %sub3A, %min3A : i32
    %mul3A_182 = arith.muli %select_n3A, %min3A_181 : i32
    %gt3A = arith.constant 0 : i32
    %gt3A_183 = arith.cmpi sgt, %sub3A, %gt3A : i32
    %convert_element_type3A = arith.extui %gt3A_183 : i1 to i32
    %cond3A = arith.constant 0 : i32
    %cond3A_184 = arith.cmpi ne, %convert_element_type3A, %cond3A : i32
    scf.if %cond3A_184 {
      %add3A_480 = arith.constant 0 : i32
      %add3A_481 = arith.addi %and3A_159, %add3A_480 : i32
      %min3A_482 = arith.constant 9920 : i32
      %min3A_483 = arith.minsi %add3A_481, %min3A_482 : i32
      %multiple_of3A = tpu.assume_multiple %min3A_483, 8 : i32
      %dma_start3A = arith.constant 0 : i32
      %dma_start3A_484 = arith.constant 0 : i32
      %dma_start3A_485 = arith.constant 0 : i32
      %dma_start3A_486 = arith.constant 0 : i32
      %dma_start3A_487 = tpu.memref_slice %arg6[%dma_start3A, %dma_start3A_485, %dma_start3A_486] : memref<2x80x256xf32, #tpu.memory_space<vmem>> -> memref<1x80x256xf32, #tpu.memory_space<vmem>>
      %dma_start3A_488 = tpu.memref_squeeze %dma_start3A_487 : memref<1x80x256xf32, #tpu.memory_space<vmem>> -> memref<80x256xf32, #tpu.memory_space<vmem>>
      %dma_start3A_489 = arith.constant 0 : i32
      %dma_start3A_490 = tpu.memref_slice %arg2[%multiple_of3A, %dma_start3A_489] : memref<10000x256xf32, #tpu.memory_space<hbm>> -> memref<80x256xf32, #tpu.memory_space<hbm>>
      %dma_start3A_491 = tpu.memref_slice %arg8[%dma_start3A_484] : memref<2x!tpu.dma_semaphore, #tpu.memory_space<semaphore_mem>> -> memref<1x!tpu.dma_semaphore, #tpu.memory_space<semaphore_mem>>
      %dma_start3A_492 = tpu.memref_squeeze %dma_start3A_491 : memref<1x!tpu.dma_semaphore, #tpu.memory_space<semaphore_mem>> -> memref<!tpu.dma_semaphore, #tpu.memory_space<semaphore_mem>>
      %dma_start3A_493 = arith.constant 0 : i32
      %dma_start3A_494 = arith.constant 0 : i32
      %dma_start3A_495 = tpu.memref_slice %arg6[%dma_start3A, %dma_start3A_493, %dma_start3A_494] : memref<2x80x256xf32, #tpu.memory_space<vmem>> -> memref<1x80x256xf32, #tpu.memory_space<vmem>>
      %dma_start3A_496 = tpu.memref_squeeze %dma_start3A_495 : memref<1x80x256xf32, #tpu.memory_space<vmem>> -> memref<80x256xf32, #tpu.memory_space<vmem>>
      %dma_start3A_497 = arith.constant 0 : i32
      %dma_start3A_498 = tpu.memref_slice %arg2[%multiple_of3A, %dma_start3A_497] : memref<10000x256xf32, #tpu.memory_space<hbm>> -> memref<80x256xf32, #tpu.memory_space<hbm>>
      tpu.enqueue_dma source(%dma_start3A_498 : memref<80x256xf32, #tpu.memory_space<hbm>>) target(%dma_start3A_496 : memref<80x256xf32, #tpu.memory_space<vmem>>) target_semaphore(%dma_start3A_492 : memref<!tpu.dma_semaphore, #tpu.memory_space<semaphore_mem>>)
    } else {
    }
    %while3A = arith.constant 0 : i32
    %while3A_185 = arith.subi %mul3A_182, %while3A : i32
    %while3A_186 = arith.addi %while3A, %while3A_185 : i32
    %while3A_187 = arith.constant 1 : i32
    %while3A_188 = arith.divsi %while3A_185, %while3A_187 : i32
    %while3A_189 = arith.muli %while3A_188, %while3A_187 : i32
    %while3A_190 = arith.addi %while3A, %while3A_189 : i32
    %while3A_191 = arith.constant 1 : i32
    %while3A_192:16 = scf.for %while3A_480 = %while3A to %while3A_190 step %while3A_191 iter_args(%while3A_481 = %broadcast_in_dim3A_158, %while3A_482 = %broadcast_in_dim3A_158, %while3A_483 = %broadcast_in_dim3A_158, %while3A_484 = %broadcast_in_dim3A_158, %while3A_485 = %broadcast_in_dim3A_158, %while3A_486 = %broadcast_in_dim3A_158, %while3A_487 = %broadcast_in_dim3A_158, %while3A_488 = %broadcast_in_dim3A_158, %while3A_489 = %broadcast_in_dim3A_158, %while3A_490 = %broadcast_in_dim3A_158, %while3A_491 = %broadcast_in_dim3A_158, %while3A_492 = %broadcast_in_dim3A_158, %while3A_493 = %broadcast_in_dim3A_158, %while3A_494 = %broadcast_in_dim3A_158, %while3A_495 = %broadcast_in_dim3A_158, %while3A_496 = %broadcast_in_dim3A_158) -> (vector<16xf32>, vector<16xf32>, vector<16xf32>, vector<16xf32>, vector<16xf32>, vector<16xf32>, vector<16xf32>, vector<16xf32>, vector<16xf32>, vector<16xf32>, vector<16xf32>, vector<16xf32>, vector<16xf32>, vector<16xf32>, vector<16xf32>, vector<16xf32>)  : i32 {
      %and3A_497 = arith.constant 1 : i32
      %and3A_498 = arith.andi %while3A_480, %and3A_497 : i32
      %mul3A_499 = arith.constant 80 : i32
      %mul3A_500 = arith.muli %while3A_480, %mul3A_499 : i32
      %add3A_501 = arith.addi %and3A_159, %mul3A_500 : i32
      %mul3A_502 = arith.constant 80 : i32
      %mul3A_503 = arith.muli %while3A_480, %mul3A_502 : i32
      %add3A_504 = arith.addi %and3A_159, %mul3A_503 : i32
      %min3A_505 = arith.constant 9920 : i32
      %min3A_506 = arith.minsi %add3A_504, %min3A_505 : i32
      %multiple_of3A = tpu.assume_multiple %min3A_506, 8 : i32
      %dma_wait3A = arith.constant 0 : i32
      %dma_wait3A_507 = arith.constant 0 : i32
      %dma_wait3A_508 = tpu.memref_slice %arg6[%and3A_498, %dma_wait3A, %dma_wait3A_507] : memref<2x80x256xf32, #tpu.memory_space<vmem>> -> memref<1x80x256xf32, #tpu.memory_space<vmem>>
      %dma_wait3A_509 = tpu.memref_squeeze %dma_wait3A_508 : memref<1x80x256xf32, #tpu.memory_space<vmem>> -> memref<80x256xf32, #tpu.memory_space<vmem>>
      %dma_wait3A_510 = arith.constant 0 : i32
      %dma_wait3A_511 = tpu.memref_slice %arg2[%multiple_of3A, %dma_wait3A_510] : memref<10000x256xf32, #tpu.memory_space<hbm>> -> memref<80x256xf32, #tpu.memory_space<hbm>>
      %dma_wait3A_512 = tpu.memref_slice %arg8[%and3A_498] : memref<2x!tpu.dma_semaphore, #tpu.memory_space<semaphore_mem>> -> memref<1x!tpu.dma_semaphore, #tpu.memory_space<semaphore_mem>>
      %dma_wait3A_513 = tpu.memref_squeeze %dma_wait3A_512 : memref<1x!tpu.dma_semaphore, #tpu.memory_space<semaphore_mem>> -> memref<!tpu.dma_semaphore, #tpu.memory_space<semaphore_mem>>
      %dma_wait3A_514 = arith.constant 0 : i32
      %dma_wait3A_515 = arith.constant 0 : i32
      %dma_wait3A_516 = tpu.memref_slice %arg6[%and3A_498, %dma_wait3A_514, %dma_wait3A_515] : memref<2x80x256xf32, #tpu.memory_space<vmem>> -> memref<1x80x256xf32, #tpu.memory_space<vmem>>
      %dma_wait3A_517 = tpu.memref_squeeze %dma_wait3A_516 : memref<1x80x256xf32, #tpu.memory_space<vmem>> -> memref<80x256xf32, #tpu.memory_space<vmem>>
      %dma_wait3A_518 = arith.constant 0 : i32
      %dma_wait3A_519 = tpu.memref_slice %arg2[%multiple_of3A, %dma_wait3A_518] : memref<10000x256xf32, #tpu.memory_space<hbm>> -> memref<80x256xf32, #tpu.memory_space<hbm>>
      tpu.wait_dma2 semaphore(%dma_wait3A_513 : memref<!tpu.dma_semaphore, #tpu.memory_space<semaphore_mem>>) src(%dma_wait3A_519 : memref<80x256xf32, #tpu.memory_space<hbm>>) dst(%dma_wait3A_517 : memref<80x256xf32, #tpu.memory_space<vmem>>)
      %add3A_520 = arith.constant 1 : i32
      %add3A_521 = arith.addi %while3A_480, %add3A_520 : i32
      %lt3A = arith.cmpi slt, %add3A_521, %mul3A_182 : i32
      %convert_element_type3A_522 = arith.extui %lt3A : i1 to i32
      %cond3A_523 = arith.constant 0 : i32
      %cond3A_524 = arith.cmpi ne, %convert_element_type3A_522, %cond3A_523 : i32
      scf.if %cond3A_524 {
        %add3A_541 = arith.constant 1 : i32
        %add3A_542 = arith.addi %while3A_480, %add3A_541 : i32
        %mul3A_543 = arith.constant 80 : i32
        %mul3A_544 = arith.muli %add3A_542, %mul3A_543 : i32
        %add3A_545 = arith.addi %and3A_159, %mul3A_544 : i32
        %min3A_546 = arith.constant 9920 : i32
        %min3A_547 = arith.minsi %add3A_545, %min3A_546 : i32
        %multiple_of3A_548 = tpu.assume_multiple %min3A_547, 8 : i32
        %add3A_549 = arith.constant 1 : i32
        %add3A_550 = arith.addi %while3A_480, %add3A_549 : i32
        %and3A_551 = arith.constant 1 : i32
        %and3A_552 = arith.andi %add3A_550, %and3A_551 : i32
        %add3A_553 = arith.constant 1 : i32
        %add3A_554 = arith.addi %while3A_480, %add3A_553 : i32
        %and3A_555 = arith.constant 1 : i32
        %and3A_556 = arith.andi %add3A_554, %and3A_555 : i32
        %dma_start3A = arith.constant 0 : i32
        %dma_start3A_557 = arith.constant 0 : i32
        %dma_start3A_558 = tpu.memref_slice %arg6[%and3A_552, %dma_start3A, %dma_start3A_557] : memref<2x80x256xf32, #tpu.memory_space<vmem>> -> memref<1x80x256xf32, #tpu.memory_space<vmem>>
        %dma_start3A_559 = tpu.memref_squeeze %dma_start3A_558 : memref<1x80x256xf32, #tpu.memory_space<vmem>> -> memref<80x256xf32, #tpu.memory_space<vmem>>
        %dma_start3A_560 = arith.constant 0 : i32
        %dma_start3A_561 = tpu.memref_slice %arg2[%multiple_of3A_548, %dma_start3A_560] : memref<10000x256xf32, #tpu.memory_space<hbm>> -> memref<80x256xf32, #tpu.memory_space<hbm>>
        %dma_start3A_562 = tpu.memref_slice %arg8[%and3A_556] : memref<2x!tpu.dma_semaphore, #tpu.memory_space<semaphore_mem>> -> memref<1x!tpu.dma_semaphore, #tpu.memory_space<semaphore_mem>>
        %dma_start3A_563 = tpu.memref_squeeze %dma_start3A_562 : memref<1x!tpu.dma_semaphore, #tpu.memory_space<semaphore_mem>> -> memref<!tpu.dma_semaphore, #tpu.memory_space<semaphore_mem>>
        %dma_start3A_564 = arith.constant 0 : i32
        %dma_start3A_565 = arith.constant 0 : i32
        %dma_start3A_566 = tpu.memref_slice %arg6[%and3A_552, %dma_start3A_564, %dma_start3A_565] : memref<2x80x256xf32, #tpu.memory_space<vmem>> -> memref<1x80x256xf32, #tpu.memory_space<vmem>>
        %dma_start3A_567 = tpu.memref_squeeze %dma_start3A_566 : memref<1x80x256xf32, #tpu.memory_space<vmem>> -> memref<80x256xf32, #tpu.memory_space<vmem>>
        %dma_start3A_568 = arith.constant 0 : i32
        %dma_start3A_569 = tpu.memref_slice %arg2[%multiple_of3A_548, %dma_start3A_568] : memref<10000x256xf32, #tpu.memory_space<hbm>> -> memref<80x256xf32, #tpu.memory_space<hbm>>
        tpu.enqueue_dma source(%dma_start3A_569 : memref<80x256xf32, #tpu.memory_space<hbm>>) target(%dma_start3A_567 : memref<80x256xf32, #tpu.memory_space<vmem>>) target_semaphore(%dma_start3A_563 : memref<!tpu.dma_semaphore, #tpu.memory_space<semaphore_mem>>)
      } else {
      }
      %max3A_525 = arith.maxsi %add3A_62, %add3A_501 : i32
      %sub3A_526 = arith.subi %max3A_525, %multiple_of3A : i32
      %add3A_527 = arith.constant 80 : i32
      %add3A_528 = arith.addi %add3A_501, %add3A_527 : i32
      %min3A_529 = arith.minsi %add3A_109, %add3A_528 : i32
      %sub3A_530 = arith.subi %min3A_529, %multiple_of3A : i32
      %while3A_531 = arith.subi %sub3A_530, %sub3A_526 : i32
      %while3A_532 = arith.addi %sub3A_526, %while3A_531 : i32
      %while3A_533 = arith.constant 1 : i32
      %while3A_534 = arith.divsi %while3A_531, %while3A_533 : i32
      %while3A_535 = arith.muli %while3A_534, %while3A_533 : i32
      %while3A_536 = arith.addi %sub3A_526, %while3A_535 : i32
      %while3A_537 = arith.constant 1 : i32
      %while3A_538:16 = scf.for %while3A_541 = %sub3A_526 to %while3A_536 step %while3A_537 iter_args(%while3A_542 = %while3A_481, %while3A_543 = %while3A_482, %while3A_544 = %while3A_483, %while3A_545 = %while3A_484, %while3A_546 = %while3A_485, %while3A_547 = %while3A_486, %while3A_548 = %while3A_487, %while3A_549 = %while3A_488, %while3A_550 = %while3A_489, %while3A_551 = %while3A_490, %while3A_552 = %while3A_491, %while3A_553 = %while3A_492, %while3A_554 = %while3A_493, %while3A_555 = %while3A_494, %while3A_556 = %while3A_495, %while3A_557 = %while3A_496) -> (vector<16xf32>, vector<16xf32>, vector<16xf32>, vector<16xf32>, vector<16xf32>, vector<16xf32>, vector<16xf32>, vector<16xf32>, vector<16xf32>, vector<16xf32>, vector<16xf32>, vector<16xf32>, vector<16xf32>, vector<16xf32>, vector<16xf32>, vector<16xf32>)  : i32 {
        %get3A = arith.index_cast %and3A_498 : i32 to index
        %get3A_558 = arith.index_cast %while3A_541 : i32 to index
        %get3A_559 = arith.constant 0 : index
        %get3A_560 = tpu.vector_load %arg6[%get3A, %get3A_558, %get3A_559] {strides = array<i32>} : memref<2x80x256xf32, #tpu.memory_space<vmem>>, vector<1x1x16xf32>,
        %get3A_561 = vector.shape_cast %get3A_560 : vector<1x1x16xf32> to vector<16xf32>
        %get3A_562 = arith.index_cast %and3A_498 : i32 to index
        %get3A_563 = arith.index_cast %while3A_541 : i32 to index
        %get3A_564 = arith.constant 16 : index
        %get3A_565 = tpu.vector_load %arg6[%get3A_562, %get3A_563, %get3A_564] {strides = array<i32>} : memref<2x80x256xf32, #tpu.memory_space<vmem>>, vector<1x1x16xf32>,
        %get3A_566 = vector.shape_cast %get3A_565 : vector<1x1x16xf32> to vector<16xf32>
        %get3A_567 = arith.index_cast %and3A_498 : i32 to index
        %get3A_568 = arith.index_cast %while3A_541 : i32 to index
        %get3A_569 = arith.constant 32 : index
        %get3A_570 = tpu.vector_load %arg6[%get3A_567, %get3A_568, %get3A_569] {strides = array<i32>} : memref<2x80x256xf32, #tpu.memory_space<vmem>>, vector<1x1x16xf32>,
        %get3A_571 = vector.shape_cast %get3A_570 : vector<1x1x16xf32> to vector<16xf32>
        %get3A_572 = arith.index_cast %and3A_498 : i32 to index
        %get3A_573 = arith.index_cast %while3A_541 : i32 to index
        %get3A_574 = arith.constant 48 : index
        %get3A_575 = tpu.vector_load %arg6[%get3A_572, %get3A_573, %get3A_574] {strides = array<i32>} : memref<2x80x256xf32, #tpu.memory_space<vmem>>, vector<1x1x16xf32>,
        %get3A_576 = vector.shape_cast %get3A_575 : vector<1x1x16xf32> to vector<16xf32>
        %get3A_577 = arith.index_cast %and3A_498 : i32 to index
        %get3A_578 = arith.index_cast %while3A_541 : i32 to index
        %get3A_579 = arith.constant 64 : index
        %get3A_580 = tpu.vector_load %arg6[%get3A_577, %get3A_578, %get3A_579] {strides = array<i32>} : memref<2x80x256xf32, #tpu.memory_space<vmem>>, vector<1x1x16xf32>,
        %get3A_581 = vector.shape_cast %get3A_580 : vector<1x1x16xf32> to vector<16xf32>
        %get3A_582 = arith.index_cast %and3A_498 : i32 to index
        %get3A_583 = arith.index_cast %while3A_541 : i32 to index
        %get3A_584 = arith.constant 80 : index
        %get3A_585 = tpu.vector_load %arg6[%get3A_582, %get3A_583, %get3A_584] {strides = array<i32>} : memref<2x80x256xf32, #tpu.memory_space<vmem>>, vector<1x1x16xf32>,
        %get3A_586 = vector.shape_cast %get3A_585 : vector<1x1x16xf32> to vector<16xf32>
        %get3A_587 = arith.index_cast %and3A_498 : i32 to index
        %get3A_588 = arith.index_cast %while3A_541 : i32 to index
        %get3A_589 = arith.constant 96 : index
        %get3A_590 = tpu.vector_load %arg6[%get3A_587, %get3A_588, %get3A_589] {strides = array<i32>} : memref<2x80x256xf32, #tpu.memory_space<vmem>>, vector<1x1x16xf32>,
        %get3A_591 = vector.shape_cast %get3A_590 : vector<1x1x16xf32> to vector<16xf32>
        %get3A_592 = arith.index_cast %and3A_498 : i32 to index
        %get3A_593 = arith.index_cast %while3A_541 : i32 to index
        %get3A_594 = arith.constant 112 : index
        %get3A_595 = tpu.vector_load %arg6[%get3A_592, %get3A_593, %get3A_594] {strides = array<i32>} : memref<2x80x256xf32, #tpu.memory_space<vmem>>, vector<1x1x16xf32>,
        %get3A_596 = vector.shape_cast %get3A_595 : vector<1x1x16xf32> to vector<16xf32>
        %get3A_597 = arith.index_cast %and3A_498 : i32 to index
        %get3A_598 = arith.index_cast %while3A_541 : i32 to index
        %get3A_599 = arith.constant 128 : index
        %get3A_600 = tpu.vector_load %arg6[%get3A_597, %get3A_598, %get3A_599] {strides = array<i32>} : memref<2x80x256xf32, #tpu.memory_space<vmem>>, vector<1x1x16xf32>,
        %get3A_601 = vector.shape_cast %get3A_600 : vector<1x1x16xf32> to vector<16xf32>
        %get3A_602 = arith.index_cast %and3A_498 : i32 to index
        %get3A_603 = arith.index_cast %while3A_541 : i32 to index
        %get3A_604 = arith.constant 144 : index
        %get3A_605 = tpu.vector_load %arg6[%get3A_602, %get3A_603, %get3A_604] {strides = array<i32>} : memref<2x80x256xf32, #tpu.memory_space<vmem>>, vector<1x1x16xf32>,
        %get3A_606 = vector.shape_cast %get3A_605 : vector<1x1x16xf32> to vector<16xf32>
        %get3A_607 = arith.index_cast %and3A_498 : i32 to index
        %get3A_608 = arith.index_cast %while3A_541 : i32 to index
        %get3A_609 = arith.constant 160 : index
        %get3A_610 = tpu.vector_load %arg6[%get3A_607, %get3A_608, %get3A_609] {strides = array<i32>} : memref<2x80x256xf32, #tpu.memory_space<vmem>>, vector<1x1x16xf32>,
        %get3A_611 = vector.shape_cast %get3A_610 : vector<1x1x16xf32> to vector<16xf32>
        %get3A_612 = arith.index_cast %and3A_498 : i32 to index
        %get3A_613 = arith.index_cast %while3A_541 : i32 to index
        %get3A_614 = arith.constant 176 : index
        %get3A_615 = tpu.vector_load %arg6[%get3A_612, %get3A_613, %get3A_614] {strides = array<i32>} : memref<2x80x256xf32, #tpu.memory_space<vmem>>, vector<1x1x16xf32>,
        %get3A_616 = vector.shape_cast %get3A_615 : vector<1x1x16xf32> to vector<16xf32>
        %get3A_617 = arith.index_cast %and3A_498 : i32 to index
        %get3A_618 = arith.index_cast %while3A_541 : i32 to index
        %get3A_619 = arith.constant 192 : index
        %get3A_620 = tpu.vector_load %arg6[%get3A_617, %get3A_618, %get3A_619] {strides = array<i32>} : memref<2x80x256xf32, #tpu.memory_space<vmem>>, vector<1x1x16xf32>,
        %get3A_621 = vector.shape_cast %get3A_620 : vector<1x1x16xf32> to vector<16xf32>
        %get3A_622 = arith.index_cast %and3A_498 : i32 to index
        %get3A_623 = arith.index_cast %while3A_541 : i32 to index
        %get3A_624 = arith.constant 208 : index
        %get3A_625 = tpu.vector_load %arg6[%get3A_622, %get3A_623, %get3A_624] {strides = array<i32>} : memref<2x80x256xf32, #tpu.memory_space<vmem>>, vector<1x1x16xf32>,
        %get3A_626 = vector.shape_cast %get3A_625 : vector<1x1x16xf32> to vector<16xf32>
        %get3A_627 = arith.index_cast %and3A_498 : i32 to index
        %get3A_628 = arith.index_cast %while3A_541 : i32 to index
        %get3A_629 = arith.constant 224 : index
        %get3A_630 = tpu.vector_load %arg6[%get3A_627, %get3A_628, %get3A_629] {strides = array<i32>} : memref<2x80x256xf32, #tpu.memory_space<vmem>>, vector<1x1x16xf32>,
        %get3A_631 = vector.shape_cast %get3A_630 : vector<1x1x16xf32> to vector<16xf32>
        %get3A_632 = arith.index_cast %and3A_498 : i32 to index
        %get3A_633 = arith.index_cast %while3A_541 : i32 to index
        %get3A_634 = arith.constant 240 : index
        %get3A_635 = tpu.vector_load %arg6[%get3A_632, %get3A_633, %get3A_634] {strides = array<i32>} : memref<2x80x256xf32, #tpu.memory_space<vmem>>, vector<1x1x16xf32>,
        %get3A_636 = vector.shape_cast %get3A_635 : vector<1x1x16xf32> to vector<16xf32>
        %add3A_637 = arith.addf %while3A_542, %get3A_561 : vector<16xf32>
        %add3A_638 = arith.addf %while3A_543, %get3A_566 : vector<16xf32>
        %add3A_639 = arith.addf %while3A_544, %get3A_571 : vector<16xf32>
        %add3A_640 = arith.addf %while3A_545, %get3A_576 : vector<16xf32>
        %add3A_641 = arith.addf %while3A_546, %get3A_581 : vector<16xf32>
        %add3A_642 = arith.addf %while3A_547, %get3A_586 : vector<16xf32>
        %add3A_643 = arith.addf %while3A_548, %get3A_591 : vector<16xf32>
        %add3A_644 = arith.addf %while3A_549, %get3A_596 : vector<16xf32>
        %add3A_645 = arith.addf %while3A_550, %get3A_601 : vector<16xf32>
        %add3A_646 = arith.addf %while3A_551, %get3A_606 : vector<16xf32>
        %add3A_647 = arith.addf %while3A_552, %get3A_611 : vector<16xf32>
        %add3A_648 = arith.addf %while3A_553, %get3A_616 : vector<16xf32>
        %add3A_649 = arith.addf %while3A_554, %get3A_621 : vector<16xf32>
        %add3A_650 = arith.addf %while3A_555, %get3A_626 : vector<16xf32>
        %add3A_651 = arith.addf %while3A_556, %get3A_631 : vector<16xf32>
        %add3A_652 = arith.addf %while3A_557, %get3A_636 : vector<16xf32>
        scf.yield %add3A_637, %add3A_638, %add3A_639, %add3A_640, %add3A_641, %add3A_642, %add3A_643, %add3A_644, %add3A_645, %add3A_646, %add3A_647, %add3A_648, %add3A_649, %add3A_650, %add3A_651, %add3A_652 : vector<16xf32>, vector<16xf32>, vector<16xf32>, vector<16xf32>, vector<16xf32>, vector<16xf32>, vector<16xf32>, vector<16xf32>, vector<16xf32>, vector<16xf32>, vector<16xf32>, vector<16xf32>, vector<16xf32>, vector<16xf32>, vector<16xf32>, vector<16xf32>
      }
      %while3A_539 = arith.constant 1 : i32
      %while3A_540:16 = scf.for %while3A_541 = %while3A_536 to %while3A_532 step %while3A_539 iter_args(%while3A_542 = %while3A_538#0, %while3A_543 = %while3A_538#1, %while3A_544 = %while3A_538#2, %while3A_545 = %while3A_538#3, %while3A_546 = %while3A_538#4, %while3A_547 = %while3A_538#5, %while3A_548 = %while3A_538#6, %while3A_549 = %while3A_538#7, %while3A_550 = %while3A_538#8, %while3A_551 = %while3A_538#9, %while3A_552 = %while3A_538#10, %while3A_553 = %while3A_538#11, %while3A_554 = %while3A_538#12, %while3A_555 = %while3A_538#13, %while3A_556 = %while3A_538#14, %while3A_557 = %while3A_538#15) -> (vector<16xf32>, vector<16xf32>, vector<16xf32>, vector<16xf32>, vector<16xf32>, vector<16xf32>, vector<16xf32>, vector<16xf32>, vector<16xf32>, vector<16xf32>, vector<16xf32>, vector<16xf32>, vector<16xf32>, vector<16xf32>, vector<16xf32>, vector<16xf32>)  : i32 {
        %get3A = arith.index_cast %and3A_498 : i32 to index
        %get3A_558 = arith.index_cast %while3A_541 : i32 to index
        %get3A_559 = arith.constant 0 : index
        %get3A_560 = tpu.vector_load %arg6[%get3A, %get3A_558, %get3A_559] {strides = array<i32>} : memref<2x80x256xf32, #tpu.memory_space<vmem>>, vector<1x1x16xf32>,
        %get3A_561 = vector.shape_cast %get3A_560 : vector<1x1x16xf32> to vector<16xf32>
        %get3A_562 = arith.index_cast %and3A_498 : i32 to index
        %get3A_563 = arith.index_cast %while3A_541 : i32 to index
        %get3A_564 = arith.constant 16 : index
        %get3A_565 = tpu.vector_load %arg6[%get3A_562, %get3A_563, %get3A_564] {strides = array<i32>} : memref<2x80x256xf32, #tpu.memory_space<vmem>>, vector<1x1x16xf32>,
        %get3A_566 = vector.shape_cast %get3A_565 : vector<1x1x16xf32> to vector<16xf32>
        %get3A_567 = arith.index_cast %and3A_498 : i32 to index
        %get3A_568 = arith.index_cast %while3A_541 : i32 to index
        %get3A_569 = arith.constant 32 : index
        %get3A_570 = tpu.vector_load %arg6[%get3A_567, %get3A_568, %get3A_569] {strides = array<i32>} : memref<2x80x256xf32, #tpu.memory_space<vmem>>, vector<1x1x16xf32>,
        %get3A_571 = vector.shape_cast %get3A_570 : vector<1x1x16xf32> to vector<16xf32>
        %get3A_572 = arith.index_cast %and3A_498 : i32 to index
        %get3A_573 = arith.index_cast %while3A_541 : i32 to index
        %get3A_574 = arith.constant 48 : index
        %get3A_575 = tpu.vector_load %arg6[%get3A_572, %get3A_573, %get3A_574] {strides = array<i32>} : memref<2x80x256xf32, #tpu.memory_space<vmem>>, vector<1x1x16xf32>,
        %get3A_576 = vector.shape_cast %get3A_575 : vector<1x1x16xf32> to vector<16xf32>
        %get3A_577 = arith.index_cast %and3A_498 : i32 to index
        %get3A_578 = arith.index_cast %while3A_541 : i32 to index
        %get3A_579 = arith.constant 64 : index
        %get3A_580 = tpu.vector_load %arg6[%get3A_577, %get3A_578, %get3A_579] {strides = array<i32>} : memref<2x80x256xf32, #tpu.memory_space<vmem>>, vector<1x1x16xf32>,
        %get3A_581 = vector.shape_cast %get3A_580 : vector<1x1x16xf32> to vector<16xf32>
        %get3A_582 = arith.index_cast %and3A_498 : i32 to index
        %get3A_583 = arith.index_cast %while3A_541 : i32 to index
        %get3A_584 = arith.constant 80 : index
        %get3A_585 = tpu.vector_load %arg6[%get3A_582, %get3A_583, %get3A_584] {strides = array<i32>} : memref<2x80x256xf32, #tpu.memory_space<vmem>>, vector<1x1x16xf32>,
        %get3A_586 = vector.shape_cast %get3A_585 : vector<1x1x16xf32> to vector<16xf32>
        %get3A_587 = arith.index_cast %and3A_498 : i32 to index
        %get3A_588 = arith.index_cast %while3A_541 : i32 to index
        %get3A_589 = arith.constant 96 : index
        %get3A_590 = tpu.vector_load %arg6[%get3A_587, %get3A_588, %get3A_589] {strides = array<i32>} : memref<2x80x256xf32, #tpu.memory_space<vmem>>, vector<1x1x16xf32>,
        %get3A_591 = vector.shape_cast %get3A_590 : vector<1x1x16xf32> to vector<16xf32>
        %get3A_592 = arith.index_cast %and3A_498 : i32 to index
        %get3A_593 = arith.index_cast %while3A_541 : i32 to index
        %get3A_594 = arith.constant 112 : index
        %get3A_595 = tpu.vector_load %arg6[%get3A_592, %get3A_593, %get3A_594] {strides = array<i32>} : memref<2x80x256xf32, #tpu.memory_space<vmem>>, vector<1x1x16xf32>,
        %get3A_596 = vector.shape_cast %get3A_595 : vector<1x1x16xf32> to vector<16xf32>
        %get3A_597 = arith.index_cast %and3A_498 : i32 to index
        %get3A_598 = arith.index_cast %while3A_541 : i32 to index
        %get3A_599 = arith.constant 128 : index
        %get3A_600 = tpu.vector_load %arg6[%get3A_597, %get3A_598, %get3A_599] {strides = array<i32>} : memref<2x80x256xf32, #tpu.memory_space<vmem>>, vector<1x1x16xf32>,
        %get3A_601 = vector.shape_cast %get3A_600 : vector<1x1x16xf32> to vector<16xf32>
        %get3A_602 = arith.index_cast %and3A_498 : i32 to index
        %get3A_603 = arith.index_cast %while3A_541 : i32 to index
        %get3A_604 = arith.constant 144 : index
        %get3A_605 = tpu.vector_load %arg6[%get3A_602, %get3A_603, %get3A_604] {strides = array<i32>} : memref<2x80x256xf32, #tpu.memory_space<vmem>>, vector<1x1x16xf32>,
        %get3A_606 = vector.shape_cast %get3A_605 : vector<1x1x16xf32> to vector<16xf32>
        %get3A_607 = arith.index_cast %and3A_498 : i32 to index
        %get3A_608 = arith.index_cast %while3A_541 : i32 to index
        %get3A_609 = arith.constant 160 : index
        %get3A_610 = tpu.vector_load %arg6[%get3A_607, %get3A_608, %get3A_609] {strides = array<i32>} : memref<2x80x256xf32, #tpu.memory_space<vmem>>, vector<1x1x16xf32>,
        %get3A_611 = vector.shape_cast %get3A_610 : vector<1x1x16xf32> to vector<16xf32>
        %get3A_612 = arith.index_cast %and3A_498 : i32 to index
        %get3A_613 = arith.index_cast %while3A_541 : i32 to index
        %get3A_614 = arith.constant 176 : index
        %get3A_615 = tpu.vector_load %arg6[%get3A_612, %get3A_613, %get3A_614] {strides = array<i32>} : memref<2x80x256xf32, #tpu.memory_space<vmem>>, vector<1x1x16xf32>,
        %get3A_616 = vector.shape_cast %get3A_615 : vector<1x1x16xf32> to vector<16xf32>
        %get3A_617 = arith.index_cast %and3A_498 : i32 to index
        %get3A_618 = arith.index_cast %while3A_541 : i32 to index
        %get3A_619 = arith.constant 192 : index
        %get3A_620 = tpu.vector_load %arg6[%get3A_617, %get3A_618, %get3A_619] {strides = array<i32>} : memref<2x80x256xf32, #tpu.memory_space<vmem>>, vector<1x1x16xf32>,
        %get3A_621 = vector.shape_cast %get3A_620 : vector<1x1x16xf32> to vector<16xf32>
        %get3A_622 = arith.index_cast %and3A_498 : i32 to index
        %get3A_623 = arith.index_cast %while3A_541 : i32 to index
        %get3A_624 = arith.constant 208 : index
        %get3A_625 = tpu.vector_load %arg6[%get3A_622, %get3A_623, %get3A_624] {strides = array<i32>} : memref<2x80x256xf32, #tpu.memory_space<vmem>>, vector<1x1x16xf32>,
        %get3A_626 = vector.shape_cast %get3A_625 : vector<1x1x16xf32> to vector<16xf32>
        %get3A_627 = arith.index_cast %and3A_498 : i32 to index
        %get3A_628 = arith.index_cast %while3A_541 : i32 to index
        %get3A_629 = arith.constant 224 : index
        %get3A_630 = tpu.vector_load %arg6[%get3A_627, %get3A_628, %get3A_629] {strides = array<i32>} : memref<2x80x256xf32, #tpu.memory_space<vmem>>, vector<1x1x16xf32>,
        %get3A_631 = vector.shape_cast %get3A_630 : vector<1x1x16xf32> to vector<16xf32>
        %get3A_632 = arith.index_cast %and3A_498 : i32 to index
        %get3A_633 = arith.index_cast %while3A_541 : i32 to index
        %get3A_634 = arith.constant 240 : index
        %get3A_635 = tpu.vector_load %arg6[%get3A_632, %get3A_633, %get3A_634] {strides = array<i32>} : memref<2x80x256xf32, #tpu.memory_space<vmem>>, vector<1x1x16xf32>,
        %get3A_636 = vector.shape_cast %get3A_635 : vector<1x1x16xf32> to vector<16xf32>
        %add3A_637 = arith.addf %while3A_542, %get3A_561 : vector<16xf32>
        %add3A_638 = arith.addf %while3A_543, %get3A_566 : vector<16xf32>
        %add3A_639 = arith.addf %while3A_544, %get3A_571 : vector<16xf32>
        %add3A_640 = arith.addf %while3A_545, %get3A_576 : vector<16xf32>
        %add3A_641 = arith.addf %while3A_546, %get3A_581 : vector<16xf32>
        %add3A_642 = arith.addf %while3A_547, %get3A_586 : vector<16xf32>
        %add3A_643 = arith.addf %while3A_548, %get3A_591 : vector<16xf32>
        %add3A_644 = arith.addf %while3A_549, %get3A_596 : vector<16xf32>
        %add3A_645 = arith.addf %while3A_550, %get3A_601 : vector<16xf32>
        %add3A_646 = arith.addf %while3A_551, %get3A_606 : vector<16xf32>
        %add3A_647 = arith.addf %while3A_552, %get3A_611 : vector<16xf32>
        %add3A_648 = arith.addf %while3A_553, %get3A_616 : vector<16xf32>
        %add3A_649 = arith.addf %while3A_554, %get3A_621 : vector<16xf32>
        %add3A_650 = arith.addf %while3A_555, %get3A_626 : vector<16xf32>
        %add3A_651 = arith.addf %while3A_556, %get3A_631 : vector<16xf32>
        %add3A_652 = arith.addf %while3A_557, %get3A_636 : vector<16xf32>
        scf.yield %add3A_637, %add3A_638, %add3A_639, %add3A_640, %add3A_641, %add3A_642, %add3A_643, %add3A_644, %add3A_645, %add3A_646, %add3A_647, %add3A_648, %add3A_649, %add3A_650, %add3A_651, %add3A_652 : vector<16xf32>, vector<16xf32>, vector<16xf32>, vector<16xf32>, vector<16xf32>, vector<16xf32>, vector<16xf32>, vector<16xf32>, vector<16xf32>, vector<16xf32>, vector<16xf32>, vector<16xf32>, vector<16xf32>, vector<16xf32>, vector<16xf32>, vector<16xf32>
      }
      scf.yield %while3A_540#0, %while3A_540#1, %while3A_540#2, %while3A_540#3, %while3A_540#4, %while3A_540#5, %while3A_540#6, %while3A_540#7, %while3A_540#8, %while3A_540#9, %while3A_540#10, %while3A_540#11, %while3A_540#12, %while3A_540#13, %while3A_540#14, %while3A_540#15 : vector<16xf32>, vector<16xf32>, vector<16xf32>, vector<16xf32>, vector<16xf32>, vector<16xf32>, vector<16xf32>, vector<16xf32>, vector<16xf32>, vector<16xf32>, vector<16xf32>, vector<16xf32>, vector<16xf32>, vector<16xf32>, vector<16xf32>, vector<16xf32>
    }
    %while3A_193 = arith.constant 1 : i32
    %while3A_194:16 = scf.for %while3A_480 = %while3A_190 to %while3A_186 step %while3A_193 iter_args(%while3A_481 = %while3A_192#0, %while3A_482 = %while3A_192#1, %while3A_483 = %while3A_192#2, %while3A_484 = %while3A_192#3, %while3A_485 = %while3A_192#4, %while3A_486 = %while3A_192#5, %while3A_487 = %while3A_192#6, %while3A_488 = %while3A_192#7, %while3A_489 = %while3A_192#8, %while3A_490 = %while3A_192#9, %while3A_491 = %while3A_192#10, %while3A_492 = %while3A_192#11, %while3A_493 = %while3A_192#12, %while3A_494 = %while3A_192#13, %while3A_495 = %while3A_192#14, %while3A_496 = %while3A_192#15) -> (vector<16xf32>, vector<16xf32>, vector<16xf32>, vector<16xf32>, vector<16xf32>, vector<16xf32>, vector<16xf32>, vector<16xf32>, vector<16xf32>, vector<16xf32>, vector<16xf32>, vector<16xf32>, vector<16xf32>, vector<16xf32>, vector<16xf32>, vector<16xf32>)  : i32 {
      %and3A_497 = arith.constant 1 : i32
      %and3A_498 = arith.andi %while3A_480, %and3A_497 : i32
      %mul3A_499 = arith.constant 80 : i32
      %mul3A_500 = arith.muli %while3A_480, %mul3A_499 : i32
      %add3A_501 = arith.addi %and3A_159, %mul3A_500 : i32
      %mul3A_502 = arith.constant 80 : i32
      %mul3A_503 = arith.muli %while3A_480, %mul3A_502 : i32
      %add3A_504 = arith.addi %and3A_159, %mul3A_503 : i32
      %min3A_505 = arith.constant 9920 : i32
      %min3A_506 = arith.minsi %add3A_504, %min3A_505 : i32
      %multiple_of3A = tpu.assume_multiple %min3A_506, 8 : i32
      %dma_wait3A = arith.constant 0 : i32
      %dma_wait3A_507 = arith.constant 0 : i32
      %dma_wait3A_508 = tpu.memref_slice %arg6[%and3A_498, %dma_wait3A, %dma_wait3A_507] : memref<2x80x256xf32, #tpu.memory_space<vmem>> -> memref<1x80x256xf32, #tpu.memory_space<vmem>>
      %dma_wait3A_509 = tpu.memref_squeeze %dma_wait3A_508 : memref<1x80x256xf32, #tpu.memory_space<vmem>> -> memref<80x256xf32, #tpu.memory_space<vmem>>
      %dma_wait3A_510 = arith.constant 0 : i32
      %dma_wait3A_511 = tpu.memref_slice %arg2[%multiple_of3A, %dma_wait3A_510] : memref<10000x256xf32, #tpu.memory_space<hbm>> -> memref<80x256xf32, #tpu.memory_space<hbm>>
      %dma_wait3A_512 = tpu.memref_slice %arg8[%and3A_498] : memref<2x!tpu.dma_semaphore, #tpu.memory_space<semaphore_mem>> -> memref<1x!tpu.dma_semaphore, #tpu.memory_space<semaphore_mem>>
      %dma_wait3A_513 = tpu.memref_squeeze %dma_wait3A_512 : memref<1x!tpu.dma_semaphore, #tpu.memory_space<semaphore_mem>> -> memref<!tpu.dma_semaphore, #tpu.memory_space<semaphore_mem>>
      %dma_wait3A_514 = arith.constant 0 : i32
      %dma_wait3A_515 = arith.constant 0 : i32
      %dma_wait3A_516 = tpu.memref_slice %arg6[%and3A_498, %dma_wait3A_514, %dma_wait3A_515] : memref<2x80x256xf32, #tpu.memory_space<vmem>> -> memref<1x80x256xf32, #tpu.memory_space<vmem>>
      %dma_wait3A_517 = tpu.memref_squeeze %dma_wait3A_516 : memref<1x80x256xf32, #tpu.memory_space<vmem>> -> memref<80x256xf32, #tpu.memory_space<vmem>>
      %dma_wait3A_518 = arith.constant 0 : i32
      %dma_wait3A_519 = tpu.memref_slice %arg2[%multiple_of3A, %dma_wait3A_518] : memref<10000x256xf32, #tpu.memory_space<hbm>> -> memref<80x256xf32, #tpu.memory_space<hbm>>
      tpu.wait_dma2 semaphore(%dma_wait3A_513 : memref<!tpu.dma_semaphore, #tpu.memory_space<semaphore_mem>>) src(%dma_wait3A_519 : memref<80x256xf32, #tpu.memory_space<hbm>>) dst(%dma_wait3A_517 : memref<80x256xf32, #tpu.memory_space<vmem>>)
      %add3A_520 = arith.constant 1 : i32
      %add3A_521 = arith.addi %while3A_480, %add3A_520 : i32
      %lt3A = arith.cmpi slt, %add3A_521, %mul3A_182 : i32
      %convert_element_type3A_522 = arith.extui %lt3A : i1 to i32
      %cond3A_523 = arith.constant 0 : i32
      %cond3A_524 = arith.cmpi ne, %convert_element_type3A_522, %cond3A_523 : i32
      scf.if %cond3A_524 {
        %add3A_541 = arith.constant 1 : i32
        %add3A_542 = arith.addi %while3A_480, %add3A_541 : i32
        %mul3A_543 = arith.constant 80 : i32
        %mul3A_544 = arith.muli %add3A_542, %mul3A_543 : i32
        %add3A_545 = arith.addi %and3A_159, %mul3A_544 : i32
        %min3A_546 = arith.constant 9920 : i32
        %min3A_547 = arith.minsi %add3A_545, %min3A_546 : i32
        %multiple_of3A_548 = tpu.assume_multiple %min3A_547, 8 : i32
        %add3A_549 = arith.constant 1 : i32
        %add3A_550 = arith.addi %while3A_480, %add3A_549 : i32
        %and3A_551 = arith.constant 1 : i32
        %and3A_552 = arith.andi %add3A_550, %and3A_551 : i32
        %add3A_553 = arith.constant 1 : i32
        %add3A_554 = arith.addi %while3A_480, %add3A_553 : i32
        %and3A_555 = arith.constant 1 : i32
        %and3A_556 = arith.andi %add3A_554, %and3A_555 : i32
        %dma_start3A = arith.constant 0 : i32
        %dma_start3A_557 = arith.constant 0 : i32
        %dma_start3A_558 = tpu.memref_slice %arg6[%and3A_552, %dma_start3A, %dma_start3A_557] : memref<2x80x256xf32, #tpu.memory_space<vmem>> -> memref<1x80x256xf32, #tpu.memory_space<vmem>>
        %dma_start3A_559 = tpu.memref_squeeze %dma_start3A_558 : memref<1x80x256xf32, #tpu.memory_space<vmem>> -> memref<80x256xf32, #tpu.memory_space<vmem>>
        %dma_start3A_560 = arith.constant 0 : i32
        %dma_start3A_561 = tpu.memref_slice %arg2[%multiple_of3A_548, %dma_start3A_560] : memref<10000x256xf32, #tpu.memory_space<hbm>> -> memref<80x256xf32, #tpu.memory_space<hbm>>
        %dma_start3A_562 = tpu.memref_slice %arg8[%and3A_556] : memref<2x!tpu.dma_semaphore, #tpu.memory_space<semaphore_mem>> -> memref<1x!tpu.dma_semaphore, #tpu.memory_space<semaphore_mem>>
        %dma_start3A_563 = tpu.memref_squeeze %dma_start3A_562 : memref<1x!tpu.dma_semaphore, #tpu.memory_space<semaphore_mem>> -> memref<!tpu.dma_semaphore, #tpu.memory_space<semaphore_mem>>
        %dma_start3A_564 = arith.constant 0 : i32
        %dma_start3A_565 = arith.constant 0 : i32
        %dma_start3A_566 = tpu.memref_slice %arg6[%and3A_552, %dma_start3A_564, %dma_start3A_565] : memref<2x80x256xf32, #tpu.memory_space<vmem>> -> memref<1x80x256xf32, #tpu.memory_space<vmem>>
        %dma_start3A_567 = tpu.memref_squeeze %dma_start3A_566 : memref<1x80x256xf32, #tpu.memory_space<vmem>> -> memref<80x256xf32, #tpu.memory_space<vmem>>
        %dma_start3A_568 = arith.constant 0 : i32
        %dma_start3A_569 = tpu.memref_slice %arg2[%multiple_of3A_548, %dma_start3A_568] : memref<10000x256xf32, #tpu.memory_space<hbm>> -> memref<80x256xf32, #tpu.memory_space<hbm>>
        tpu.enqueue_dma source(%dma_start3A_569 : memref<80x256xf32, #tpu.memory_space<hbm>>) target(%dma_start3A_567 : memref<80x256xf32, #tpu.memory_space<vmem>>) target_semaphore(%dma_start3A_563 : memref<!tpu.dma_semaphore, #tpu.memory_space<semaphore_mem>>)
      } else {
      }
      %max3A_525 = arith.maxsi %add3A_62, %add3A_501 : i32
      %sub3A_526 = arith.subi %max3A_525, %multiple_of3A : i32
      %add3A_527 = arith.constant 80 : i32
      %add3A_528 = arith.addi %add3A_501, %add3A_527 : i32
      %min3A_529 = arith.minsi %add3A_109, %add3A_528 : i32
      %sub3A_530 = arith.subi %min3A_529, %multiple_of3A : i32
      %while3A_531 = arith.subi %sub3A_530, %sub3A_526 : i32
      %while3A_532 = arith.addi %sub3A_526, %while3A_531 : i32
      %while3A_533 = arith.constant 1 : i32
      %while3A_534 = arith.divsi %while3A_531, %while3A_533 : i32
      %while3A_535 = arith.muli %while3A_534, %while3A_533 : i32
      %while3A_536 = arith.addi %sub3A_526, %while3A_535 : i32
      %while3A_537 = arith.constant 1 : i32
      %while3A_538:16 = scf.for %while3A_541 = %sub3A_526 to %while3A_536 step %while3A_537 iter_args(%while3A_542 = %while3A_481, %while3A_543 = %while3A_482, %while3A_544 = %while3A_483, %while3A_545 = %while3A_484, %while3A_546 = %while3A_485, %while3A_547 = %while3A_486, %while3A_548 = %while3A_487, %while3A_549 = %while3A_488, %while3A_550 = %while3A_489, %while3A_551 = %while3A_490, %while3A_552 = %while3A_491, %while3A_553 = %while3A_492, %while3A_554 = %while3A_493, %while3A_555 = %while3A_494, %while3A_556 = %while3A_495, %while3A_557 = %while3A_496) -> (vector<16xf32>, vector<16xf32>, vector<16xf32>, vector<16xf32>, vector<16xf32>, vector<16xf32>, vector<16xf32>, vector<16xf32>, vector<16xf32>, vector<16xf32>, vector<16xf32>, vector<16xf32>, vector<16xf32>, vector<16xf32>, vector<16xf32>, vector<16xf32>)  : i32 {
        %get3A = arith.index_cast %and3A_498 : i32 to index
        %get3A_558 = arith.index_cast %while3A_541 : i32 to index
        %get3A_559 = arith.constant 0 : index
        %get3A_560 = tpu.vector_load %arg6[%get3A, %get3A_558, %get3A_559] {strides = array<i32>} : memref<2x80x256xf32, #tpu.memory_space<vmem>>, vector<1x1x16xf32>,
        %get3A_561 = vector.shape_cast %get3A_560 : vector<1x1x16xf32> to vector<16xf32>
        %get3A_562 = arith.index_cast %and3A_498 : i32 to index
        %get3A_563 = arith.index_cast %while3A_541 : i32 to index
        %get3A_564 = arith.constant 16 : index
        %get3A_565 = tpu.vector_load %arg6[%get3A_562, %get3A_563, %get3A_564] {strides = array<i32>} : memref<2x80x256xf32, #tpu.memory_space<vmem>>, vector<1x1x16xf32>,
        %get3A_566 = vector.shape_cast %get3A_565 : vector<1x1x16xf32> to vector<16xf32>
        %get3A_567 = arith.index_cast %and3A_498 : i32 to index
        %get3A_568 = arith.index_cast %while3A_541 : i32 to index
        %get3A_569 = arith.constant 32 : index
        %get3A_570 = tpu.vector_load %arg6[%get3A_567, %get3A_568, %get3A_569] {strides = array<i32>} : memref<2x80x256xf32, #tpu.memory_space<vmem>>, vector<1x1x16xf32>,
        %get3A_571 = vector.shape_cast %get3A_570 : vector<1x1x16xf32> to vector<16xf32>
        %get3A_572 = arith.index_cast %and3A_498 : i32 to index
        %get3A_573 = arith.index_cast %while3A_541 : i32 to index
        %get3A_574 = arith.constant 48 : index
        %get3A_575 = tpu.vector_load %arg6[%get3A_572, %get3A_573, %get3A_574] {strides = array<i32>} : memref<2x80x256xf32, #tpu.memory_space<vmem>>, vector<1x1x16xf32>,
        %get3A_576 = vector.shape_cast %get3A_575 : vector<1x1x16xf32> to vector<16xf32>
        %get3A_577 = arith.index_cast %and3A_498 : i32 to index
        %get3A_578 = arith.index_cast %while3A_541 : i32 to index
        %get3A_579 = arith.constant 64 : index
        %get3A_580 = tpu.vector_load %arg6[%get3A_577, %get3A_578, %get3A_579] {strides = array<i32>} : memref<2x80x256xf32, #tpu.memory_space<vmem>>, vector<1x1x16xf32>,
        %get3A_581 = vector.shape_cast %get3A_580 : vector<1x1x16xf32> to vector<16xf32>
        %get3A_582 = arith.index_cast %and3A_498 : i32 to index
        %get3A_583 = arith.index_cast %while3A_541 : i32 to index
        %get3A_584 = arith.constant 80 : index
        %get3A_585 = tpu.vector_load %arg6[%get3A_582, %get3A_583, %get3A_584] {strides = array<i32>} : memref<2x80x256xf32, #tpu.memory_space<vmem>>, vector<1x1x16xf32>,
        %get3A_586 = vector.shape_cast %get3A_585 : vector<1x1x16xf32> to vector<16xf32>
        %get3A_587 = arith.index_cast %and3A_498 : i32 to index
        %get3A_588 = arith.index_cast %while3A_541 : i32 to index
        %get3A_589 = arith.constant 96 : index
        %get3A_590 = tpu.vector_load %arg6[%get3A_587, %get3A_588, %get3A_589] {strides = array<i32>} : memref<2x80x256xf32, #tpu.memory_space<vmem>>, vector<1x1x16xf32>,
        %get3A_591 = vector.shape_cast %get3A_590 : vector<1x1x16xf32> to vector<16xf32>
        %get3A_592 = arith.index_cast %and3A_498 : i32 to index
        %get3A_593 = arith.index_cast %while3A_541 : i32 to index
        %get3A_594 = arith.constant 112 : index
        %get3A_595 = tpu.vector_load %arg6[%get3A_592, %get3A_593, %get3A_594] {strides = array<i32>} : memref<2x80x256xf32, #tpu.memory_space<vmem>>, vector<1x1x16xf32>,
        %get3A_596 = vector.shape_cast %get3A_595 : vector<1x1x16xf32> to vector<16xf32>
        %get3A_597 = arith.index_cast %and3A_498 : i32 to index
        %get3A_598 = arith.index_cast %while3A_541 : i32 to index
        %get3A_599 = arith.constant 128 : index
        %get3A_600 = tpu.vector_load %arg6[%get3A_597, %get3A_598, %get3A_599] {strides = array<i32>} : memref<2x80x256xf32, #tpu.memory_space<vmem>>, vector<1x1x16xf32>,
        %get3A_601 = vector.shape_cast %get3A_600 : vector<1x1x16xf32> to vector<16xf32>
        %get3A_602 = arith.index_cast %and3A_498 : i32 to index
        %get3A_603 = arith.index_cast %while3A_541 : i32 to index
        %get3A_604 = arith.constant 144 : index
        %get3A_605 = tpu.vector_load %arg6[%get3A_602, %get3A_603, %get3A_604] {strides = array<i32>} : memref<2x80x256xf32, #tpu.memory_space<vmem>>, vector<1x1x16xf32>,
        %get3A_606 = vector.shape_cast %get3A_605 : vector<1x1x16xf32> to vector<16xf32>
        %get3A_607 = arith.index_cast %and3A_498 : i32 to index
        %get3A_608 = arith.index_cast %while3A_541 : i32 to index
        %get3A_609 = arith.constant 160 : index
        %get3A_610 = tpu.vector_load %arg6[%get3A_607, %get3A_608, %get3A_609] {strides = array<i32>} : memref<2x80x256xf32, #tpu.memory_space<vmem>>, vector<1x1x16xf32>,
        %get3A_611 = vector.shape_cast %get3A_610 : vector<1x1x16xf32> to vector<16xf32>
        %get3A_612 = arith.index_cast %and3A_498 : i32 to index
        %get3A_613 = arith.index_cast %while3A_541 : i32 to index
        %get3A_614 = arith.constant 176 : index
        %get3A_615 = tpu.vector_load %arg6[%get3A_612, %get3A_613, %get3A_614] {strides = array<i32>} : memref<2x80x256xf32, #tpu.memory_space<vmem>>, vector<1x1x16xf32>,
        %get3A_616 = vector.shape_cast %get3A_615 : vector<1x1x16xf32> to vector<16xf32>
        %get3A_617 = arith.index_cast %and3A_498 : i32 to index
        %get3A_618 = arith.index_cast %while3A_541 : i32 to index
        %get3A_619 = arith.constant 192 : index
        %get3A_620 = tpu.vector_load %arg6[%get3A_617, %get3A_618, %get3A_619] {strides = array<i32>} : memref<2x80x256xf32, #tpu.memory_space<vmem>>, vector<1x1x16xf32>,
        %get3A_621 = vector.shape_cast %get3A_620 : vector<1x1x16xf32> to vector<16xf32>
        %get3A_622 = arith.index_cast %and3A_498 : i32 to index
        %get3A_623 = arith.index_cast %while3A_541 : i32 to index
        %get3A_624 = arith.constant 208 : index
        %get3A_625 = tpu.vector_load %arg6[%get3A_622, %get3A_623, %get3A_624] {strides = array<i32>} : memref<2x80x256xf32, #tpu.memory_space<vmem>>, vector<1x1x16xf32>,
        %get3A_626 = vector.shape_cast %get3A_625 : vector<1x1x16xf32> to vector<16xf32>
        %get3A_627 = arith.index_cast %and3A_498 : i32 to index
        %get3A_628 = arith.index_cast %while3A_541 : i32 to index
        %get3A_629 = arith.constant 224 : index
        %get3A_630 = tpu.vector_load %arg6[%get3A_627, %get3A_628, %get3A_629] {strides = array<i32>} : memref<2x80x256xf32, #tpu.memory_space<vmem>>, vector<1x1x16xf32>,
        %get3A_631 = vector.shape_cast %get3A_630 : vector<1x1x16xf32> to vector<16xf32>
        %get3A_632 = arith.index_cast %and3A_498 : i32 to index
        %get3A_633 = arith.index_cast %while3A_541 : i32 to index
        %get3A_634 = arith.constant 240 : index
        %get3A_635 = tpu.vector_load %arg6[%get3A_632, %get3A_633, %get3A_634] {strides = array<i32>} : memref<2x80x256xf32, #tpu.memory_space<vmem>>, vector<1x1x16xf32>,
        %get3A_636 = vector.shape_cast %get3A_635 : vector<1x1x16xf32> to vector<16xf32>
        %add3A_637 = arith.addf %while3A_542, %get3A_561 : vector<16xf32>
        %add3A_638 = arith.addf %while3A_543, %get3A_566 : vector<16xf32>
        %add3A_639 = arith.addf %while3A_544, %get3A_571 : vector<16xf32>
        %add3A_640 = arith.addf %while3A_545, %get3A_576 : vector<16xf32>
        %add3A_641 = arith.addf %while3A_546, %get3A_581 : vector<16xf32>
        %add3A_642 = arith.addf %while3A_547, %get3A_586 : vector<16xf32>
        %add3A_643 = arith.addf %while3A_548, %get3A_591 : vector<16xf32>
        %add3A_644 = arith.addf %while3A_549, %get3A_596 : vector<16xf32>
        %add3A_645 = arith.addf %while3A_550, %get3A_601 : vector<16xf32>
        %add3A_646 = arith.addf %while3A_551, %get3A_606 : vector<16xf32>
        %add3A_647 = arith.addf %while3A_552, %get3A_611 : vector<16xf32>
        %add3A_648 = arith.addf %while3A_553, %get3A_616 : vector<16xf32>
        %add3A_649 = arith.addf %while3A_554, %get3A_621 : vector<16xf32>
        %add3A_650 = arith.addf %while3A_555, %get3A_626 : vector<16xf32>
        %add3A_651 = arith.addf %while3A_556, %get3A_631 : vector<16xf32>
        %add3A_652 = arith.addf %while3A_557, %get3A_636 : vector<16xf32>
        scf.yield %add3A_637, %add3A_638, %add3A_639, %add3A_640, %add3A_641, %add3A_642, %add3A_643, %add3A_644, %add3A_645, %add3A_646, %add3A_647, %add3A_648, %add3A_649, %add3A_650, %add3A_651, %add3A_652 : vector<16xf32>, vector<16xf32>, vector<16xf32>, vector<16xf32>, vector<16xf32>, vector<16xf32>, vector<16xf32>, vector<16xf32>, vector<16xf32>, vector<16xf32>, vector<16xf32>, vector<16xf32>, vector<16xf32>, vector<16xf32>, vector<16xf32>, vector<16xf32>
      }
      %while3A_539 = arith.constant 1 : i32
      %while3A_540:16 = scf.for %while3A_541 = %while3A_536 to %while3A_532 step %while3A_539 iter_args(%while3A_542 = %while3A_538#0, %while3A_543 = %while3A_538#1, %while3A_544 = %while3A_538#2, %while3A_545 = %while3A_538#3, %while3A_546 = %while3A_538#4, %while3A_547 = %while3A_538#5, %while3A_548 = %while3A_538#6, %while3A_549 = %while3A_538#7, %while3A_550 = %while3A_538#8, %while3A_551 = %while3A_538#9, %while3A_552 = %while3A_538#10, %while3A_553 = %while3A_538#11, %while3A_554 = %while3A_538#12, %while3A_555 = %while3A_538#13, %while3A_556 = %while3A_538#14, %while3A_557 = %while3A_538#15) -> (vector<16xf32>, vector<16xf32>, vector<16xf32>, vector<16xf32>, vector<16xf32>, vector<16xf32>, vector<16xf32>, vector<16xf32>, vector<16xf32>, vector<16xf32>, vector<16xf32>, vector<16xf32>, vector<16xf32>, vector<16xf32>, vector<16xf32>, vector<16xf32>)  : i32 {
        %get3A = arith.index_cast %and3A_498 : i32 to index
        %get3A_558 = arith.index_cast %while3A_541 : i32 to index
        %get3A_559 = arith.constant 0 : index
        %get3A_560 = tpu.vector_load %arg6[%get3A, %get3A_558, %get3A_559] {strides = array<i32>} : memref<2x80x256xf32, #tpu.memory_space<vmem>>, vector<1x1x16xf32>,
        %get3A_561 = vector.shape_cast %get3A_560 : vector<1x1x16xf32> to vector<16xf32>
        %get3A_562 = arith.index_cast %and3A_498 : i32 to index
        %get3A_563 = arith.index_cast %while3A_541 : i32 to index
        %get3A_564 = arith.constant 16 : index
        %get3A_565 = tpu.vector_load %arg6[%get3A_562, %get3A_563, %get3A_564] {strides = array<i32>} : memref<2x80x256xf32, #tpu.memory_space<vmem>>, vector<1x1x16xf32>,
        %get3A_566 = vector.shape_cast %get3A_565 : vector<1x1x16xf32> to vector<16xf32>
        %get3A_567 = arith.index_cast %and3A_498 : i32 to index
        %get3A_568 = arith.index_cast %while3A_541 : i32 to index
        %get3A_569 = arith.constant 32 : index
        %get3A_570 = tpu.vector_load %arg6[%get3A_567, %get3A_568, %get3A_569] {strides = array<i32>} : memref<2x80x256xf32, #tpu.memory_space<vmem>>, vector<1x1x16xf32>,
        %get3A_571 = vector.shape_cast %get3A_570 : vector<1x1x16xf32> to vector<16xf32>
        %get3A_572 = arith.index_cast %and3A_498 : i32 to index
        %get3A_573 = arith.index_cast %while3A_541 : i32 to index
        %get3A_574 = arith.constant 48 : index
        %get3A_575 = tpu.vector_load %arg6[%get3A_572, %get3A_573, %get3A_574] {strides = array<i32>} : memref<2x80x256xf32, #tpu.memory_space<vmem>>, vector<1x1x16xf32>,
        %get3A_576 = vector.shape_cast %get3A_575 : vector<1x1x16xf32> to vector<16xf32>
        %get3A_577 = arith.index_cast %and3A_498 : i32 to index
        %get3A_578 = arith.index_cast %while3A_541 : i32 to index
        %get3A_579 = arith.constant 64 : index
        %get3A_580 = tpu.vector_load %arg6[%get3A_577, %get3A_578, %get3A_579] {strides = array<i32>} : memref<2x80x256xf32, #tpu.memory_space<vmem>>, vector<1x1x16xf32>,
        %get3A_581 = vector.shape_cast %get3A_580 : vector<1x1x16xf32> to vector<16xf32>
        %get3A_582 = arith.index_cast %and3A_498 : i32 to index
        %get3A_583 = arith.index_cast %while3A_541 : i32 to index
        %get3A_584 = arith.constant 80 : index
        %get3A_585 = tpu.vector_load %arg6[%get3A_582, %get3A_583, %get3A_584] {strides = array<i32>} : memref<2x80x256xf32, #tpu.memory_space<vmem>>, vector<1x1x16xf32>,
        %get3A_586 = vector.shape_cast %get3A_585 : vector<1x1x16xf32> to vector<16xf32>
        %get3A_587 = arith.index_cast %and3A_498 : i32 to index
        %get3A_588 = arith.index_cast %while3A_541 : i32 to index
        %get3A_589 = arith.constant 96 : index
        %get3A_590 = tpu.vector_load %arg6[%get3A_587, %get3A_588, %get3A_589] {strides = array<i32>} : memref<2x80x256xf32, #tpu.memory_space<vmem>>, vector<1x1x16xf32>,
        %get3A_591 = vector.shape_cast %get3A_590 : vector<1x1x16xf32> to vector<16xf32>
        %get3A_592 = arith.index_cast %and3A_498 : i32 to index
        %get3A_593 = arith.index_cast %while3A_541 : i32 to index
        %get3A_594 = arith.constant 112 : index
        %get3A_595 = tpu.vector_load %arg6[%get3A_592, %get3A_593, %get3A_594] {strides = array<i32>} : memref<2x80x256xf32, #tpu.memory_space<vmem>>, vector<1x1x16xf32>,
        %get3A_596 = vector.shape_cast %get3A_595 : vector<1x1x16xf32> to vector<16xf32>
        %get3A_597 = arith.index_cast %and3A_498 : i32 to index
        %get3A_598 = arith.index_cast %while3A_541 : i32 to index
        %get3A_599 = arith.constant 128 : index
        %get3A_600 = tpu.vector_load %arg6[%get3A_597, %get3A_598, %get3A_599] {strides = array<i32>} : memref<2x80x256xf32, #tpu.memory_space<vmem>>, vector<1x1x16xf32>,
        %get3A_601 = vector.shape_cast %get3A_600 : vector<1x1x16xf32> to vector<16xf32>
        %get3A_602 = arith.index_cast %and3A_498 : i32 to index
        %get3A_603 = arith.index_cast %while3A_541 : i32 to index
        %get3A_604 = arith.constant 144 : index
        %get3A_605 = tpu.vector_load %arg6[%get3A_602, %get3A_603, %get3A_604] {strides = array<i32>} : memref<2x80x256xf32, #tpu.memory_space<vmem>>, vector<1x1x16xf32>,
        %get3A_606 = vector.shape_cast %get3A_605 : vector<1x1x16xf32> to vector<16xf32>
        %get3A_607 = arith.index_cast %and3A_498 : i32 to index
        %get3A_608 = arith.index_cast %while3A_541 : i32 to index
        %get3A_609 = arith.constant 160 : index
        %get3A_610 = tpu.vector_load %arg6[%get3A_607, %get3A_608, %get3A_609] {strides = array<i32>} : memref<2x80x256xf32, #tpu.memory_space<vmem>>, vector<1x1x16xf32>,
        %get3A_611 = vector.shape_cast %get3A_610 : vector<1x1x16xf32> to vector<16xf32>
        %get3A_612 = arith.index_cast %and3A_498 : i32 to index
        %get3A_613 = arith.index_cast %while3A_541 : i32 to index
        %get3A_614 = arith.constant 176 : index
        %get3A_615 = tpu.vector_load %arg6[%get3A_612, %get3A_613, %get3A_614] {strides = array<i32>} : memref<2x80x256xf32, #tpu.memory_space<vmem>>, vector<1x1x16xf32>,
        %get3A_616 = vector.shape_cast %get3A_615 : vector<1x1x16xf32> to vector<16xf32>
        %get3A_617 = arith.index_cast %and3A_498 : i32 to index
        %get3A_618 = arith.index_cast %while3A_541 : i32 to index
        %get3A_619 = arith.constant 192 : index
        %get3A_620 = tpu.vector_load %arg6[%get3A_617, %get3A_618, %get3A_619] {strides = array<i32>} : memref<2x80x256xf32, #tpu.memory_space<vmem>>, vector<1x1x16xf32>,
        %get3A_621 = vector.shape_cast %get3A_620 : vector<1x1x16xf32> to vector<16xf32>
        %get3A_622 = arith.index_cast %and3A_498 : i32 to index
        %get3A_623 = arith.index_cast %while3A_541 : i32 to index
        %get3A_624 = arith.constant 208 : index
        %get3A_625 = tpu.vector_load %arg6[%get3A_622, %get3A_623, %get3A_624] {strides = array<i32>} : memref<2x80x256xf32, #tpu.memory_space<vmem>>, vector<1x1x16xf32>,
        %get3A_626 = vector.shape_cast %get3A_625 : vector<1x1x16xf32> to vector<16xf32>
        %get3A_627 = arith.index_cast %and3A_498 : i32 to index
        %get3A_628 = arith.index_cast %while3A_541 : i32 to index
        %get3A_629 = arith.constant 224 : index
        %get3A_630 = tpu.vector_load %arg6[%get3A_627, %get3A_628, %get3A_629] {strides = array<i32>} : memref<2x80x256xf32, #tpu.memory_space<vmem>>, vector<1x1x16xf32>,
        %get3A_631 = vector.shape_cast %get3A_630 : vector<1x1x16xf32> to vector<16xf32>
        %get3A_632 = arith.index_cast %and3A_498 : i32 to index
        %get3A_633 = arith.index_cast %while3A_541 : i32 to index
        %get3A_634 = arith.constant 240 : index
        %get3A_635 = tpu.vector_load %arg6[%get3A_632, %get3A_633, %get3A_634] {strides = array<i32>} : memref<2x80x256xf32, #tpu.memory_space<vmem>>, vector<1x1x16xf32>,
        %get3A_636 = vector.shape_cast %get3A_635 : vector<1x1x16xf32> to vector<16xf32>
        %add3A_637 = arith.addf %while3A_542, %get3A_561 : vector<16xf32>
        %add3A_638 = arith.addf %while3A_543, %get3A_566 : vector<16xf32>
        %add3A_639 = arith.addf %while3A_544, %get3A_571 : vector<16xf32>
        %add3A_640 = arith.addf %while3A_545, %get3A_576 : vector<16xf32>
        %add3A_641 = arith.addf %while3A_546, %get3A_581 : vector<16xf32>
        %add3A_642 = arith.addf %while3A_547, %get3A_586 : vector<16xf32>
        %add3A_643 = arith.addf %while3A_548, %get3A_591 : vector<16xf32>
        %add3A_644 = arith.addf %while3A_549, %get3A_596 : vector<16xf32>
        %add3A_645 = arith.addf %while3A_550, %get3A_601 : vector<16xf32>
        %add3A_646 = arith.addf %while3A_551, %get3A_606 : vector<16xf32>
        %add3A_647 = arith.addf %while3A_552, %get3A_611 : vector<16xf32>
        %add3A_648 = arith.addf %while3A_553, %get3A_616 : vector<16xf32>
        %add3A_649 = arith.addf %while3A_554, %get3A_621 : vector<16xf32>
        %add3A_650 = arith.addf %while3A_555, %get3A_626 : vector<16xf32>
        %add3A_651 = arith.addf %while3A_556, %get3A_631 : vector<16xf32>
        %add3A_652 = arith.addf %while3A_557, %get3A_636 : vector<16xf32>
        scf.yield %add3A_637, %add3A_638, %add3A_639, %add3A_640, %add3A_641, %add3A_642, %add3A_643, %add3A_644, %add3A_645, %add3A_646, %add3A_647, %add3A_648, %add3A_649, %add3A_650, %add3A_651, %add3A_652 : vector<16xf32>, vector<16xf32>, vector<16xf32>, vector<16xf32>, vector<16xf32>, vector<16xf32>, vector<16xf32>, vector<16xf32>, vector<16xf32>, vector<16xf32>, vector<16xf32>, vector<16xf32>, vector<16xf32>, vector<16xf32>, vector<16xf32>, vector<16xf32>
      }
      scf.yield %while3A_540#0, %while3A_540#1, %while3A_540#2, %while3A_540#3, %while3A_540#4, %while3A_540#5, %while3A_540#6, %while3A_540#7, %while3A_540#8, %while3A_540#9, %while3A_540#10, %while3A_540#11, %while3A_540#12, %while3A_540#13, %while3A_540#14, %while3A_540#15 : vector<16xf32>, vector<16xf32>, vector<16xf32>, vector<16xf32>, vector<16xf32>, vector<16xf32>, vector<16xf32>, vector<16xf32>, vector<16xf32>, vector<16xf32>, vector<16xf32>, vector<16xf32>, vector<16xf32>, vector<16xf32>, vector<16xf32>, vector<16xf32>
    }
    %max3A = arith.constant 1 : i32
    %max3A_195 = arith.maxsi %sub3A, %max3A : i32
    %broadcast_in_dim3A_196 = vector.broadcast %max3A_195 : i32 to vector<16xi32>
    %convert_element_type3A_197 = arith.sitofp %broadcast_in_dim3A_196 : vector<16xi32> to vector<16xf32>
    %broadcast_in_dim3A_198 = arith.constant 1.000000e+00 : f32
    %broadcast_in_dim3A_199 = vector.broadcast %broadcast_in_dim3A_198 : f32 to vector<16xf32>
    %div3A_200 = arith.divf %broadcast_in_dim3A_199, %convert_element_type3A_197 : vector<16xf32>
    %mul3A_201 = arith.mulf %while3A_194#0, %div3A_200 : vector<16xf32>
    %swap3A = arith.constant 0 : i32
    %swap3A_202 = arith.index_cast %swap3A : i32 to index
    %swap3A_203 = arith.constant 0 : index
    %swap3A_204 = tpu.vector_load %arg7[%swap3A_202, %swap3A_203] {strides = array<i32>} : memref<2x256xf32, #tpu.memory_space<vmem>>, vector<1x16xf32>,
    %swap3A_205 = vector.shape_cast %swap3A_204 : vector<1x16xf32> to vector<16xf32>
    %swap3A_206 = vector.shape_cast %mul3A_201 : vector<16xf32> to vector<1x16xf32>
    tpu.vector_store %arg7[%swap3A_202, %swap3A_203], %swap3A_206 {strides = array<i32>} : memref<2x256xf32, #tpu.memory_space<vmem>>, vector<1x16xf32>,
    %mul3A_207 = arith.mulf %while3A_194#1, %div3A_200 : vector<16xf32>
    %swap3A_208 = arith.constant 0 : i32
    %swap3A_209 = arith.index_cast %swap3A_208 : i32 to index
    %swap3A_210 = arith.constant 16 : index
    %swap3A_211 = tpu.vector_load %arg7[%swap3A_209, %swap3A_210] {strides = array<i32>} : memref<2x256xf32, #tpu.memory_space<vmem>>, vector<1x16xf32>,
    %swap3A_212 = vector.shape_cast %swap3A_211 : vector<1x16xf32> to vector<16xf32>
    %swap3A_213 = vector.shape_cast %mul3A_207 : vector<16xf32> to vector<1x16xf32>
    tpu.vector_store %arg7[%swap3A_209, %swap3A_210], %swap3A_213 {strides = array<i32>} : memref<2x256xf32, #tpu.memory_space<vmem>>, vector<1x16xf32>,
    %mul3A_214 = arith.mulf %while3A_194#2, %div3A_200 : vector<16xf32>
    %swap3A_215 = arith.constant 0 : i32
    %swap3A_216 = arith.index_cast %swap3A_215 : i32 to index
    %swap3A_217 = arith.constant 32 : index
    %swap3A_218 = tpu.vector_load %arg7[%swap3A_216, %swap3A_217] {strides = array<i32>} : memref<2x256xf32, #tpu.memory_space<vmem>>, vector<1x16xf32>,
    %swap3A_219 = vector.shape_cast %swap3A_218 : vector<1x16xf32> to vector<16xf32>
    %swap3A_220 = vector.shape_cast %mul3A_214 : vector<16xf32> to vector<1x16xf32>
    tpu.vector_store %arg7[%swap3A_216, %swap3A_217], %swap3A_220 {strides = array<i32>} : memref<2x256xf32, #tpu.memory_space<vmem>>, vector<1x16xf32>,
    %mul3A_221 = arith.mulf %while3A_194#3, %div3A_200 : vector<16xf32>
    %swap3A_222 = arith.constant 0 : i32
    %swap3A_223 = arith.index_cast %swap3A_222 : i32 to index
    %swap3A_224 = arith.constant 48 : index
    %swap3A_225 = tpu.vector_load %arg7[%swap3A_223, %swap3A_224] {strides = array<i32>} : memref<2x256xf32, #tpu.memory_space<vmem>>, vector<1x16xf32>,
    %swap3A_226 = vector.shape_cast %swap3A_225 : vector<1x16xf32> to vector<16xf32>
    %swap3A_227 = vector.shape_cast %mul3A_221 : vector<16xf32> to vector<1x16xf32>
    tpu.vector_store %arg7[%swap3A_223, %swap3A_224], %swap3A_227 {strides = array<i32>} : memref<2x256xf32, #tpu.memory_space<vmem>>, vector<1x16xf32>,
    %mul3A_228 = arith.mulf %while3A_194#4, %div3A_200 : vector<16xf32>
    %swap3A_229 = arith.constant 0 : i32
    %swap3A_230 = arith.index_cast %swap3A_229 : i32 to index
    %swap3A_231 = arith.constant 64 : index
    %swap3A_232 = tpu.vector_load %arg7[%swap3A_230, %swap3A_231] {strides = array<i32>} : memref<2x256xf32, #tpu.memory_space<vmem>>, vector<1x16xf32>,
    %swap3A_233 = vector.shape_cast %swap3A_232 : vector<1x16xf32> to vector<16xf32>
    %swap3A_234 = vector.shape_cast %mul3A_228 : vector<16xf32> to vector<1x16xf32>
    tpu.vector_store %arg7[%swap3A_230, %swap3A_231], %swap3A_234 {strides = array<i32>} : memref<2x256xf32, #tpu.memory_space<vmem>>, vector<1x16xf32>,
    %mul3A_235 = arith.mulf %while3A_194#5, %div3A_200 : vector<16xf32>
    %swap3A_236 = arith.constant 0 : i32
    %swap3A_237 = arith.index_cast %swap3A_236 : i32 to index
    %swap3A_238 = arith.constant 80 : index
    %swap3A_239 = tpu.vector_load %arg7[%swap3A_237, %swap3A_238] {strides = array<i32>} : memref<2x256xf32, #tpu.memory_space<vmem>>, vector<1x16xf32>,
    %swap3A_240 = vector.shape_cast %swap3A_239 : vector<1x16xf32> to vector<16xf32>
    %swap3A_241 = vector.shape_cast %mul3A_235 : vector<16xf32> to vector<1x16xf32>
    tpu.vector_store %arg7[%swap3A_237, %swap3A_238], %swap3A_241 {strides = array<i32>} : memref<2x256xf32, #tpu.memory_space<vmem>>, vector<1x16xf32>,
    %mul3A_242 = arith.mulf %while3A_194#6, %div3A_200 : vector<16xf32>
    %swap3A_243 = arith.constant 0 : i32
    %swap3A_244 = arith.index_cast %swap3A_243 : i32 to index
    %swap3A_245 = arith.constant 96 : index
    %swap3A_246 = tpu.vector_load %arg7[%swap3A_244, %swap3A_245] {strides = array<i32>} : memref<2x256xf32, #tpu.memory_space<vmem>>, vector<1x16xf32>,
    %swap3A_247 = vector.shape_cast %swap3A_246 : vector<1x16xf32> to vector<16xf32>
    %swap3A_248 = vector.shape_cast %mul3A_242 : vector<16xf32> to vector<1x16xf32>
    tpu.vector_store %arg7[%swap3A_244, %swap3A_245], %swap3A_248 {strides = array<i32>} : memref<2x256xf32, #tpu.memory_space<vmem>>, vector<1x16xf32>,
    %mul3A_249 = arith.mulf %while3A_194#7, %div3A_200 : vector<16xf32>
    %swap3A_250 = arith.constant 0 : i32
    %swap3A_251 = arith.index_cast %swap3A_250 : i32 to index
    %swap3A_252 = arith.constant 112 : index
    %swap3A_253 = tpu.vector_load %arg7[%swap3A_251, %swap3A_252] {strides = array<i32>} : memref<2x256xf32, #tpu.memory_space<vmem>>, vector<1x16xf32>,
    %swap3A_254 = vector.shape_cast %swap3A_253 : vector<1x16xf32> to vector<16xf32>
    %swap3A_255 = vector.shape_cast %mul3A_249 : vector<16xf32> to vector<1x16xf32>
    tpu.vector_store %arg7[%swap3A_251, %swap3A_252], %swap3A_255 {strides = array<i32>} : memref<2x256xf32, #tpu.memory_space<vmem>>, vector<1x16xf32>,
    %mul3A_256 = arith.mulf %while3A_194#8, %div3A_200 : vector<16xf32>
    %swap3A_257 = arith.constant 0 : i32
    %swap3A_258 = arith.index_cast %swap3A_257 : i32 to index
    %swap3A_259 = arith.constant 128 : index
    %swap3A_260 = tpu.vector_load %arg7[%swap3A_258, %swap3A_259] {strides = array<i32>} : memref<2x256xf32, #tpu.memory_space<vmem>>, vector<1x16xf32>,
    %swap3A_261 = vector.shape_cast %swap3A_260 : vector<1x16xf32> to vector<16xf32>
    %swap3A_262 = vector.shape_cast %mul3A_256 : vector<16xf32> to vector<1x16xf32>
    tpu.vector_store %arg7[%swap3A_258, %swap3A_259], %swap3A_262 {strides = array<i32>} : memref<2x256xf32, #tpu.memory_space<vmem>>, vector<1x16xf32>,
    %mul3A_263 = arith.mulf %while3A_194#9, %div3A_200 : vector<16xf32>
    %swap3A_264 = arith.constant 0 : i32
    %swap3A_265 = arith.index_cast %swap3A_264 : i32 to index
    %swap3A_266 = arith.constant 144 : index
    %swap3A_267 = tpu.vector_load %arg7[%swap3A_265, %swap3A_266] {strides = array<i32>} : memref<2x256xf32, #tpu.memory_space<vmem>>, vector<1x16xf32>,
    %swap3A_268 = vector.shape_cast %swap3A_267 : vector<1x16xf32> to vector<16xf32>
    %swap3A_269 = vector.shape_cast %mul3A_263 : vector<16xf32> to vector<1x16xf32>
    tpu.vector_store %arg7[%swap3A_265, %swap3A_266], %swap3A_269 {strides = array<i32>} : memref<2x256xf32, #tpu.memory_space<vmem>>, vector<1x16xf32>,
    %mul3A_270 = arith.mulf %while3A_194#10, %div3A_200 : vector<16xf32>
    %swap3A_271 = arith.constant 0 : i32
    %swap3A_272 = arith.index_cast %swap3A_271 : i32 to index
    %swap3A_273 = arith.constant 160 : index
    %swap3A_274 = tpu.vector_load %arg7[%swap3A_272, %swap3A_273] {strides = array<i32>} : memref<2x256xf32, #tpu.memory_space<vmem>>, vector<1x16xf32>,
    %swap3A_275 = vector.shape_cast %swap3A_274 : vector<1x16xf32> to vector<16xf32>
    %swap3A_276 = vector.shape_cast %mul3A_270 : vector<16xf32> to vector<1x16xf32>
    tpu.vector_store %arg7[%swap3A_272, %swap3A_273], %swap3A_276 {strides = array<i32>} : memref<2x256xf32, #tpu.memory_space<vmem>>, vector<1x16xf32>,
    %mul3A_277 = arith.mulf %while3A_194#11, %div3A_200 : vector<16xf32>
    %swap3A_278 = arith.constant 0 : i32
    %swap3A_279 = arith.index_cast %swap3A_278 : i32 to index
    %swap3A_280 = arith.constant 176 : index
    %swap3A_281 = tpu.vector_load %arg7[%swap3A_279, %swap3A_280] {strides = array<i32>} : memref<2x256xf32, #tpu.memory_space<vmem>>, vector<1x16xf32>,
    %swap3A_282 = vector.shape_cast %swap3A_281 : vector<1x16xf32> to vector<16xf32>
    %swap3A_283 = vector.shape_cast %mul3A_277 : vector<16xf32> to vector<1x16xf32>
    tpu.vector_store %arg7[%swap3A_279, %swap3A_280], %swap3A_283 {strides = array<i32>} : memref<2x256xf32, #tpu.memory_space<vmem>>, vector<1x16xf32>,
    %mul3A_284 = arith.mulf %while3A_194#12, %div3A_200 : vector<16xf32>
    %swap3A_285 = arith.constant 0 : i32
    %swap3A_286 = arith.index_cast %swap3A_285 : i32 to index
    %swap3A_287 = arith.constant 192 : index
    %swap3A_288 = tpu.vector_load %arg7[%swap3A_286, %swap3A_287] {strides = array<i32>} : memref<2x256xf32, #tpu.memory_space<vmem>>, vector<1x16xf32>,
    %swap3A_289 = vector.shape_cast %swap3A_288 : vector<1x16xf32> to vector<16xf32>
    %swap3A_290 = vector.shape_cast %mul3A_284 : vector<16xf32> to vector<1x16xf32>
    tpu.vector_store %arg7[%swap3A_286, %swap3A_287], %swap3A_290 {strides = array<i32>} : memref<2x256xf32, #tpu.memory_space<vmem>>, vector<1x16xf32>,
    %mul3A_291 = arith.mulf %while3A_194#13, %div3A_200 : vector<16xf32>
    %swap3A_292 = arith.constant 0 : i32
    %swap3A_293 = arith.index_cast %swap3A_292 : i32 to index
    %swap3A_294 = arith.constant 208 : index
    %swap3A_295 = tpu.vector_load %arg7[%swap3A_293, %swap3A_294] {strides = array<i32>} : memref<2x256xf32, #tpu.memory_space<vmem>>, vector<1x16xf32>,
    %swap3A_296 = vector.shape_cast %swap3A_295 : vector<1x16xf32> to vector<16xf32>
    %swap3A_297 = vector.shape_cast %mul3A_291 : vector<16xf32> to vector<1x16xf32>
    tpu.vector_store %arg7[%swap3A_293, %swap3A_294], %swap3A_297 {strides = array<i32>} : memref<2x256xf32, #tpu.memory_space<vmem>>, vector<1x16xf32>,
    %mul3A_298 = arith.mulf %while3A_194#14, %div3A_200 : vector<16xf32>
    %swap3A_299 = arith.constant 0 : i32
    %swap3A_300 = arith.index_cast %swap3A_299 : i32 to index
    %swap3A_301 = arith.constant 224 : index
    %swap3A_302 = tpu.vector_load %arg7[%swap3A_300, %swap3A_301] {strides = array<i32>} : memref<2x256xf32, #tpu.memory_space<vmem>>, vector<1x16xf32>,
    %swap3A_303 = vector.shape_cast %swap3A_302 : vector<1x16xf32> to vector<16xf32>
    %swap3A_304 = vector.shape_cast %mul3A_298 : vector<16xf32> to vector<1x16xf32>
    tpu.vector_store %arg7[%swap3A_300, %swap3A_301], %swap3A_304 {strides = array<i32>} : memref<2x256xf32, #tpu.memory_space<vmem>>, vector<1x16xf32>,
    %mul3A_305 = arith.mulf %while3A_194#15, %div3A_200 : vector<16xf32>
    %swap3A_306 = arith.constant 0 : i32
    %swap3A_307 = arith.index_cast %swap3A_306 : i32 to index
    %swap3A_308 = arith.constant 240 : index
    %swap3A_309 = tpu.vector_load %arg7[%swap3A_307, %swap3A_308] {strides = array<i32>} : memref<2x256xf32, #tpu.memory_space<vmem>>, vector<1x16xf32>,
    %swap3A_310 = vector.shape_cast %swap3A_309 : vector<1x16xf32> to vector<16xf32>
    %swap3A_311 = vector.shape_cast %mul3A_305 : vector<16xf32> to vector<1x16xf32>
    tpu.vector_store %arg7[%swap3A_307, %swap3A_308], %swap3A_311 {strides = array<i32>} : memref<2x256xf32, #tpu.memory_space<vmem>>, vector<1x16xf32>,
    %sub3A_312 = arith.subi %add3A_156, %add3A_109 : i32
    %and3A_313 = arith.constant -8 : i32
    %and3A_314 = arith.andi %add3A_109, %and3A_313 : i32
    %sub3A_315 = arith.subi %add3A_156, %and3A_314 : i32
    %add3A_316 = arith.constant 79 : i32
    %add3A_317 = arith.addi %sub3A_315, %add3A_316 : i32
    %jit3A_318 = arith.constant 80 : i32
    %div3A_319 = arith.divsi %add3A_317, %jit3A_318 : i32
    %sign3A_320 = arith.constant 0 : i32
    %sign3A_321 = arith.cmpi sgt, %add3A_317, %sign3A_320 : i32
    %sign3A_322 = arith.extui %sign3A_321 : i1 to i32
    %sign3A_323 = arith.constant 0 : i32
    %sign3A_324 = arith.cmpi slt, %add3A_317, %sign3A_323 : i32
    %sign3A_325 = arith.extui %sign3A_324 : i1 to i32
    %sign3A_326 = arith.subi %sign3A_322, %sign3A_325 : i32
    %sign3A_327 = arith.constant 0 : i32
    %sign3A_328 = arith.cmpi sgt, %jit3A_318, %sign3A_327 : i32
    %sign3A_329 = arith.extui %sign3A_328 : i1 to i32
    %sign3A_330 = arith.constant 0 : i32
    %sign3A_331 = arith.cmpi slt, %jit3A_318, %sign3A_330 : i32
    %sign3A_332 = arith.extui %sign3A_331 : i1 to i32
    %sign3A_333 = arith.subi %sign3A_329, %sign3A_332 : i32
    %ne3A_334 = arith.cmpi ne, %sign3A_326, %sign3A_333 : i32
    %rem3A_335 = arith.remsi %add3A_317, %jit3A_318 : i32
    %ne3A_336 = arith.constant 0 : i32
    %ne3A_337 = arith.cmpi ne, %rem3A_335, %ne3A_336 : i32
    %and3A_338 = arith.andi %ne3A_334, %ne3A_337 : i1
    %sub3A_339 = arith.constant 1 : i32
    %sub3A_340 = arith.subi %div3A_319, %sub3A_339 : i32
    %select_n3A_341 = arith.select %and3A_338, %sub3A_340, %div3A_319 : i32
    %min3A_342 = arith.constant 1 : i32
    %min3A_343 = arith.minsi %sub3A_312, %min3A_342 : i32
    %mul3A_344 = arith.muli %select_n3A_341, %min3A_343 : i32
    %gt3A_345 = arith.constant 0 : i32
    %gt3A_346 = arith.cmpi sgt, %sub3A_312, %gt3A_345 : i32
    %convert_element_type3A_347 = arith.extui %gt3A_346 : i1 to i32
    %cond3A_348 = arith.constant 0 : i32
    %cond3A_349 = arith.cmpi ne, %convert_element_type3A_347, %cond3A_348 : i32
    scf.if %cond3A_349 {
      %add3A_480 = arith.constant 0 : i32
      %add3A_481 = arith.addi %and3A_314, %add3A_480 : i32
      %min3A_482 = arith.constant 9920 : i32
      %min3A_483 = arith.minsi %add3A_481, %min3A_482 : i32
      %multiple_of3A = tpu.assume_multiple %min3A_483, 8 : i32
      %dma_start3A = arith.constant 0 : i32
      %dma_start3A_484 = arith.constant 0 : i32
      %dma_start3A_485 = arith.constant 0 : i32
      %dma_start3A_486 = arith.constant 0 : i32
      %dma_start3A_487 = tpu.memref_slice %arg6[%dma_start3A, %dma_start3A_485, %dma_start3A_486] : memref<2x80x256xf32, #tpu.memory_space<vmem>> -> memref<1x80x256xf32, #tpu.memory_space<vmem>>
      %dma_start3A_488 = tpu.memref_squeeze %dma_start3A_487 : memref<1x80x256xf32, #tpu.memory_space<vmem>> -> memref<80x256xf32, #tpu.memory_space<vmem>>
      %dma_start3A_489 = arith.constant 0 : i32
      %dma_start3A_490 = tpu.memref_slice %arg2[%multiple_of3A, %dma_start3A_489] : memref<10000x256xf32, #tpu.memory_space<hbm>> -> memref<80x256xf32, #tpu.memory_space<hbm>>
      %dma_start3A_491 = tpu.memref_slice %arg8[%dma_start3A_484] : memref<2x!tpu.dma_semaphore, #tpu.memory_space<semaphore_mem>> -> memref<1x!tpu.dma_semaphore, #tpu.memory_space<semaphore_mem>>
      %dma_start3A_492 = tpu.memref_squeeze %dma_start3A_491 : memref<1x!tpu.dma_semaphore, #tpu.memory_space<semaphore_mem>> -> memref<!tpu.dma_semaphore, #tpu.memory_space<semaphore_mem>>
      %dma_start3A_493 = arith.constant 0 : i32
      %dma_start3A_494 = arith.constant 0 : i32
      %dma_start3A_495 = tpu.memref_slice %arg6[%dma_start3A, %dma_start3A_493, %dma_start3A_494] : memref<2x80x256xf32, #tpu.memory_space<vmem>> -> memref<1x80x256xf32, #tpu.memory_space<vmem>>
      %dma_start3A_496 = tpu.memref_squeeze %dma_start3A_495 : memref<1x80x256xf32, #tpu.memory_space<vmem>> -> memref<80x256xf32, #tpu.memory_space<vmem>>
      %dma_start3A_497 = arith.constant 0 : i32
      %dma_start3A_498 = tpu.memref_slice %arg2[%multiple_of3A, %dma_start3A_497] : memref<10000x256xf32, #tpu.memory_space<hbm>> -> memref<80x256xf32, #tpu.memory_space<hbm>>
      tpu.enqueue_dma source(%dma_start3A_498 : memref<80x256xf32, #tpu.memory_space<hbm>>) target(%dma_start3A_496 : memref<80x256xf32, #tpu.memory_space<vmem>>) target_semaphore(%dma_start3A_492 : memref<!tpu.dma_semaphore, #tpu.memory_space<semaphore_mem>>)
    } else {
    }
    %while3A_350 = arith.constant 0 : i32
    %while3A_351 = arith.subi %mul3A_344, %while3A_350 : i32
    %while3A_352 = arith.addi %while3A_350, %while3A_351 : i32
    %while3A_353 = arith.constant 1 : i32
    %while3A_354 = arith.divsi %while3A_351, %while3A_353 : i32
    %while3A_355 = arith.muli %while3A_354, %while3A_353 : i32
    %while3A_356 = arith.addi %while3A_350, %while3A_355 : i32
    %while3A_357 = arith.constant 1 : i32
    %while3A_358:16 = scf.for %while3A_480 = %while3A_350 to %while3A_356 step %while3A_357 iter_args(%while3A_481 = %broadcast_in_dim3A_158, %while3A_482 = %broadcast_in_dim3A_158, %while3A_483 = %broadcast_in_dim3A_158, %while3A_484 = %broadcast_in_dim3A_158, %while3A_485 = %broadcast_in_dim3A_158, %while3A_486 = %broadcast_in_dim3A_158, %while3A_487 = %broadcast_in_dim3A_158, %while3A_488 = %broadcast_in_dim3A_158, %while3A_489 = %broadcast_in_dim3A_158, %while3A_490 = %broadcast_in_dim3A_158, %while3A_491 = %broadcast_in_dim3A_158, %while3A_492 = %broadcast_in_dim3A_158, %while3A_493 = %broadcast_in_dim3A_158, %while3A_494 = %broadcast_in_dim3A_158, %while3A_495 = %broadcast_in_dim3A_158, %while3A_496 = %broadcast_in_dim3A_158) -> (vector<16xf32>, vector<16xf32>, vector<16xf32>, vector<16xf32>, vector<16xf32>, vector<16xf32>, vector<16xf32>, vector<16xf32>, vector<16xf32>, vector<16xf32>, vector<16xf32>, vector<16xf32>, vector<16xf32>, vector<16xf32>, vector<16xf32>, vector<16xf32>)  : i32 {
      %and3A_497 = arith.constant 1 : i32
      %and3A_498 = arith.andi %while3A_480, %and3A_497 : i32
      %mul3A_499 = arith.constant 80 : i32
      %mul3A_500 = arith.muli %while3A_480, %mul3A_499 : i32
      %add3A_501 = arith.addi %and3A_314, %mul3A_500 : i32
      %mul3A_502 = arith.constant 80 : i32
      %mul3A_503 = arith.muli %while3A_480, %mul3A_502 : i32
      %add3A_504 = arith.addi %and3A_314, %mul3A_503 : i32
      %min3A_505 = arith.constant 9920 : i32
      %min3A_506 = arith.minsi %add3A_504, %min3A_505 : i32
      %multiple_of3A = tpu.assume_multiple %min3A_506, 8 : i32
      %dma_wait3A = arith.constant 0 : i32
      %dma_wait3A_507 = arith.constant 0 : i32
      %dma_wait3A_508 = tpu.memref_slice %arg6[%and3A_498, %dma_wait3A, %dma_wait3A_507] : memref<2x80x256xf32, #tpu.memory_space<vmem>> -> memref<1x80x256xf32, #tpu.memory_space<vmem>>
      %dma_wait3A_509 = tpu.memref_squeeze %dma_wait3A_508 : memref<1x80x256xf32, #tpu.memory_space<vmem>> -> memref<80x256xf32, #tpu.memory_space<vmem>>
      %dma_wait3A_510 = arith.constant 0 : i32
      %dma_wait3A_511 = tpu.memref_slice %arg2[%multiple_of3A, %dma_wait3A_510] : memref<10000x256xf32, #tpu.memory_space<hbm>> -> memref<80x256xf32, #tpu.memory_space<hbm>>
      %dma_wait3A_512 = tpu.memref_slice %arg8[%and3A_498] : memref<2x!tpu.dma_semaphore, #tpu.memory_space<semaphore_mem>> -> memref<1x!tpu.dma_semaphore, #tpu.memory_space<semaphore_mem>>
      %dma_wait3A_513 = tpu.memref_squeeze %dma_wait3A_512 : memref<1x!tpu.dma_semaphore, #tpu.memory_space<semaphore_mem>> -> memref<!tpu.dma_semaphore, #tpu.memory_space<semaphore_mem>>
      %dma_wait3A_514 = arith.constant 0 : i32
      %dma_wait3A_515 = arith.constant 0 : i32
      %dma_wait3A_516 = tpu.memref_slice %arg6[%and3A_498, %dma_wait3A_514, %dma_wait3A_515] : memref<2x80x256xf32, #tpu.memory_space<vmem>> -> memref<1x80x256xf32, #tpu.memory_space<vmem>>
      %dma_wait3A_517 = tpu.memref_squeeze %dma_wait3A_516 : memref<1x80x256xf32, #tpu.memory_space<vmem>> -> memref<80x256xf32, #tpu.memory_space<vmem>>
      %dma_wait3A_518 = arith.constant 0 : i32
      %dma_wait3A_519 = tpu.memref_slice %arg2[%multiple_of3A, %dma_wait3A_518] : memref<10000x256xf32, #tpu.memory_space<hbm>> -> memref<80x256xf32, #tpu.memory_space<hbm>>
      tpu.wait_dma2 semaphore(%dma_wait3A_513 : memref<!tpu.dma_semaphore, #tpu.memory_space<semaphore_mem>>) src(%dma_wait3A_519 : memref<80x256xf32, #tpu.memory_space<hbm>>) dst(%dma_wait3A_517 : memref<80x256xf32, #tpu.memory_space<vmem>>)
      %add3A_520 = arith.constant 1 : i32
      %add3A_521 = arith.addi %while3A_480, %add3A_520 : i32
      %lt3A = arith.cmpi slt, %add3A_521, %mul3A_344 : i32
      %convert_element_type3A_522 = arith.extui %lt3A : i1 to i32
      %cond3A_523 = arith.constant 0 : i32
      %cond3A_524 = arith.cmpi ne, %convert_element_type3A_522, %cond3A_523 : i32
      scf.if %cond3A_524 {
        %add3A_541 = arith.constant 1 : i32
        %add3A_542 = arith.addi %while3A_480, %add3A_541 : i32
        %mul3A_543 = arith.constant 80 : i32
        %mul3A_544 = arith.muli %add3A_542, %mul3A_543 : i32
        %add3A_545 = arith.addi %and3A_314, %mul3A_544 : i32
        %min3A_546 = arith.constant 9920 : i32
        %min3A_547 = arith.minsi %add3A_545, %min3A_546 : i32
        %multiple_of3A_548 = tpu.assume_multiple %min3A_547, 8 : i32
        %add3A_549 = arith.constant 1 : i32
        %add3A_550 = arith.addi %while3A_480, %add3A_549 : i32
        %and3A_551 = arith.constant 1 : i32
        %and3A_552 = arith.andi %add3A_550, %and3A_551 : i32
        %add3A_553 = arith.constant 1 : i32
        %add3A_554 = arith.addi %while3A_480, %add3A_553 : i32
        %and3A_555 = arith.constant 1 : i32
        %and3A_556 = arith.andi %add3A_554, %and3A_555 : i32
        %dma_start3A = arith.constant 0 : i32
        %dma_start3A_557 = arith.constant 0 : i32
        %dma_start3A_558 = tpu.memref_slice %arg6[%and3A_552, %dma_start3A, %dma_start3A_557] : memref<2x80x256xf32, #tpu.memory_space<vmem>> -> memref<1x80x256xf32, #tpu.memory_space<vmem>>
        %dma_start3A_559 = tpu.memref_squeeze %dma_start3A_558 : memref<1x80x256xf32, #tpu.memory_space<vmem>> -> memref<80x256xf32, #tpu.memory_space<vmem>>
        %dma_start3A_560 = arith.constant 0 : i32
        %dma_start3A_561 = tpu.memref_slice %arg2[%multiple_of3A_548, %dma_start3A_560] : memref<10000x256xf32, #tpu.memory_space<hbm>> -> memref<80x256xf32, #tpu.memory_space<hbm>>
        %dma_start3A_562 = tpu.memref_slice %arg8[%and3A_556] : memref<2x!tpu.dma_semaphore, #tpu.memory_space<semaphore_mem>> -> memref<1x!tpu.dma_semaphore, #tpu.memory_space<semaphore_mem>>
        %dma_start3A_563 = tpu.memref_squeeze %dma_start3A_562 : memref<1x!tpu.dma_semaphore, #tpu.memory_space<semaphore_mem>> -> memref<!tpu.dma_semaphore, #tpu.memory_space<semaphore_mem>>
        %dma_start3A_564 = arith.constant 0 : i32
        %dma_start3A_565 = arith.constant 0 : i32
        %dma_start3A_566 = tpu.memref_slice %arg6[%and3A_552, %dma_start3A_564, %dma_start3A_565] : memref<2x80x256xf32, #tpu.memory_space<vmem>> -> memref<1x80x256xf32, #tpu.memory_space<vmem>>
        %dma_start3A_567 = tpu.memref_squeeze %dma_start3A_566 : memref<1x80x256xf32, #tpu.memory_space<vmem>> -> memref<80x256xf32, #tpu.memory_space<vmem>>
        %dma_start3A_568 = arith.constant 0 : i32
        %dma_start3A_569 = tpu.memref_slice %arg2[%multiple_of3A_548, %dma_start3A_568] : memref<10000x256xf32, #tpu.memory_space<hbm>> -> memref<80x256xf32, #tpu.memory_space<hbm>>
        tpu.enqueue_dma source(%dma_start3A_569 : memref<80x256xf32, #tpu.memory_space<hbm>>) target(%dma_start3A_567 : memref<80x256xf32, #tpu.memory_space<vmem>>) target_semaphore(%dma_start3A_563 : memref<!tpu.dma_semaphore, #tpu.memory_space<semaphore_mem>>)
      } else {
      }
      %max3A_525 = arith.maxsi %add3A_109, %add3A_501 : i32
      %sub3A_526 = arith.subi %max3A_525, %multiple_of3A : i32
      %add3A_527 = arith.constant 80 : i32
      %add3A_528 = arith.addi %add3A_501, %add3A_527 : i32
      %min3A_529 = arith.minsi %add3A_156, %add3A_528 : i32
      %sub3A_530 = arith.subi %min3A_529, %multiple_of3A : i32
      %while3A_531 = arith.subi %sub3A_530, %sub3A_526 : i32
      %while3A_532 = arith.addi %sub3A_526, %while3A_531 : i32
      %while3A_533 = arith.constant 1 : i32
      %while3A_534 = arith.divsi %while3A_531, %while3A_533 : i32
      %while3A_535 = arith.muli %while3A_534, %while3A_533 : i32
      %while3A_536 = arith.addi %sub3A_526, %while3A_535 : i32
      %while3A_537 = arith.constant 1 : i32
      %while3A_538:16 = scf.for %while3A_541 = %sub3A_526 to %while3A_536 step %while3A_537 iter_args(%while3A_542 = %while3A_481, %while3A_543 = %while3A_482, %while3A_544 = %while3A_483, %while3A_545 = %while3A_484, %while3A_546 = %while3A_485, %while3A_547 = %while3A_486, %while3A_548 = %while3A_487, %while3A_549 = %while3A_488, %while3A_550 = %while3A_489, %while3A_551 = %while3A_490, %while3A_552 = %while3A_491, %while3A_553 = %while3A_492, %while3A_554 = %while3A_493, %while3A_555 = %while3A_494, %while3A_556 = %while3A_495, %while3A_557 = %while3A_496) -> (vector<16xf32>, vector<16xf32>, vector<16xf32>, vector<16xf32>, vector<16xf32>, vector<16xf32>, vector<16xf32>, vector<16xf32>, vector<16xf32>, vector<16xf32>, vector<16xf32>, vector<16xf32>, vector<16xf32>, vector<16xf32>, vector<16xf32>, vector<16xf32>)  : i32 {
        %get3A = arith.index_cast %and3A_498 : i32 to index
        %get3A_558 = arith.index_cast %while3A_541 : i32 to index
        %get3A_559 = arith.constant 0 : index
        %get3A_560 = tpu.vector_load %arg6[%get3A, %get3A_558, %get3A_559] {strides = array<i32>} : memref<2x80x256xf32, #tpu.memory_space<vmem>>, vector<1x1x16xf32>,
        %get3A_561 = vector.shape_cast %get3A_560 : vector<1x1x16xf32> to vector<16xf32>
        %get3A_562 = arith.index_cast %and3A_498 : i32 to index
        %get3A_563 = arith.index_cast %while3A_541 : i32 to index
        %get3A_564 = arith.constant 16 : index
        %get3A_565 = tpu.vector_load %arg6[%get3A_562, %get3A_563, %get3A_564] {strides = array<i32>} : memref<2x80x256xf32, #tpu.memory_space<vmem>>, vector<1x1x16xf32>,
        %get3A_566 = vector.shape_cast %get3A_565 : vector<1x1x16xf32> to vector<16xf32>
        %get3A_567 = arith.index_cast %and3A_498 : i32 to index
        %get3A_568 = arith.index_cast %while3A_541 : i32 to index
        %get3A_569 = arith.constant 32 : index
        %get3A_570 = tpu.vector_load %arg6[%get3A_567, %get3A_568, %get3A_569] {strides = array<i32>} : memref<2x80x256xf32, #tpu.memory_space<vmem>>, vector<1x1x16xf32>,
        %get3A_571 = vector.shape_cast %get3A_570 : vector<1x1x16xf32> to vector<16xf32>
        %get3A_572 = arith.index_cast %and3A_498 : i32 to index
        %get3A_573 = arith.index_cast %while3A_541 : i32 to index
        %get3A_574 = arith.constant 48 : index
        %get3A_575 = tpu.vector_load %arg6[%get3A_572, %get3A_573, %get3A_574] {strides = array<i32>} : memref<2x80x256xf32, #tpu.memory_space<vmem>>, vector<1x1x16xf32>,
        %get3A_576 = vector.shape_cast %get3A_575 : vector<1x1x16xf32> to vector<16xf32>
        %get3A_577 = arith.index_cast %and3A_498 : i32 to index
        %get3A_578 = arith.index_cast %while3A_541 : i32 to index
        %get3A_579 = arith.constant 64 : index
        %get3A_580 = tpu.vector_load %arg6[%get3A_577, %get3A_578, %get3A_579] {strides = array<i32>} : memref<2x80x256xf32, #tpu.memory_space<vmem>>, vector<1x1x16xf32>,
        %get3A_581 = vector.shape_cast %get3A_580 : vector<1x1x16xf32> to vector<16xf32>
        %get3A_582 = arith.index_cast %and3A_498 : i32 to index
        %get3A_583 = arith.index_cast %while3A_541 : i32 to index
        %get3A_584 = arith.constant 80 : index
        %get3A_585 = tpu.vector_load %arg6[%get3A_582, %get3A_583, %get3A_584] {strides = array<i32>} : memref<2x80x256xf32, #tpu.memory_space<vmem>>, vector<1x1x16xf32>,
        %get3A_586 = vector.shape_cast %get3A_585 : vector<1x1x16xf32> to vector<16xf32>
        %get3A_587 = arith.index_cast %and3A_498 : i32 to index
        %get3A_588 = arith.index_cast %while3A_541 : i32 to index
        %get3A_589 = arith.constant 96 : index
        %get3A_590 = tpu.vector_load %arg6[%get3A_587, %get3A_588, %get3A_589] {strides = array<i32>} : memref<2x80x256xf32, #tpu.memory_space<vmem>>, vector<1x1x16xf32>,
        %get3A_591 = vector.shape_cast %get3A_590 : vector<1x1x16xf32> to vector<16xf32>
        %get3A_592 = arith.index_cast %and3A_498 : i32 to index
        %get3A_593 = arith.index_cast %while3A_541 : i32 to index
        %get3A_594 = arith.constant 112 : index
        %get3A_595 = tpu.vector_load %arg6[%get3A_592, %get3A_593, %get3A_594] {strides = array<i32>} : memref<2x80x256xf32, #tpu.memory_space<vmem>>, vector<1x1x16xf32>,
        %get3A_596 = vector.shape_cast %get3A_595 : vector<1x1x16xf32> to vector<16xf32>
        %get3A_597 = arith.index_cast %and3A_498 : i32 to index
        %get3A_598 = arith.index_cast %while3A_541 : i32 to index
        %get3A_599 = arith.constant 128 : index
        %get3A_600 = tpu.vector_load %arg6[%get3A_597, %get3A_598, %get3A_599] {strides = array<i32>} : memref<2x80x256xf32, #tpu.memory_space<vmem>>, vector<1x1x16xf32>,
        %get3A_601 = vector.shape_cast %get3A_600 : vector<1x1x16xf32> to vector<16xf32>
        %get3A_602 = arith.index_cast %and3A_498 : i32 to index
        %get3A_603 = arith.index_cast %while3A_541 : i32 to index
        %get3A_604 = arith.constant 144 : index
        %get3A_605 = tpu.vector_load %arg6[%get3A_602, %get3A_603, %get3A_604] {strides = array<i32>} : memref<2x80x256xf32, #tpu.memory_space<vmem>>, vector<1x1x16xf32>,
        %get3A_606 = vector.shape_cast %get3A_605 : vector<1x1x16xf32> to vector<16xf32>
        %get3A_607 = arith.index_cast %and3A_498 : i32 to index
        %get3A_608 = arith.index_cast %while3A_541 : i32 to index
        %get3A_609 = arith.constant 160 : index
        %get3A_610 = tpu.vector_load %arg6[%get3A_607, %get3A_608, %get3A_609] {strides = array<i32>} : memref<2x80x256xf32, #tpu.memory_space<vmem>>, vector<1x1x16xf32>,
        %get3A_611 = vector.shape_cast %get3A_610 : vector<1x1x16xf32> to vector<16xf32>
        %get3A_612 = arith.index_cast %and3A_498 : i32 to index
        %get3A_613 = arith.index_cast %while3A_541 : i32 to index
        %get3A_614 = arith.constant 176 : index
        %get3A_615 = tpu.vector_load %arg6[%get3A_612, %get3A_613, %get3A_614] {strides = array<i32>} : memref<2x80x256xf32, #tpu.memory_space<vmem>>, vector<1x1x16xf32>,
        %get3A_616 = vector.shape_cast %get3A_615 : vector<1x1x16xf32> to vector<16xf32>
        %get3A_617 = arith.index_cast %and3A_498 : i32 to index
        %get3A_618 = arith.index_cast %while3A_541 : i32 to index
        %get3A_619 = arith.constant 192 : index
        %get3A_620 = tpu.vector_load %arg6[%get3A_617, %get3A_618, %get3A_619] {strides = array<i32>} : memref<2x80x256xf32, #tpu.memory_space<vmem>>, vector<1x1x16xf32>,
        %get3A_621 = vector.shape_cast %get3A_620 : vector<1x1x16xf32> to vector<16xf32>
        %get3A_622 = arith.index_cast %and3A_498 : i32 to index
        %get3A_623 = arith.index_cast %while3A_541 : i32 to index
        %get3A_624 = arith.constant 208 : index
        %get3A_625 = tpu.vector_load %arg6[%get3A_622, %get3A_623, %get3A_624] {strides = array<i32>} : memref<2x80x256xf32, #tpu.memory_space<vmem>>, vector<1x1x16xf32>,
        %get3A_626 = vector.shape_cast %get3A_625 : vector<1x1x16xf32> to vector<16xf32>
        %get3A_627 = arith.index_cast %and3A_498 : i32 to index
        %get3A_628 = arith.index_cast %while3A_541 : i32 to index
        %get3A_629 = arith.constant 224 : index
        %get3A_630 = tpu.vector_load %arg6[%get3A_627, %get3A_628, %get3A_629] {strides = array<i32>} : memref<2x80x256xf32, #tpu.memory_space<vmem>>, vector<1x1x16xf32>,
        %get3A_631 = vector.shape_cast %get3A_630 : vector<1x1x16xf32> to vector<16xf32>
        %get3A_632 = arith.index_cast %and3A_498 : i32 to index
        %get3A_633 = arith.index_cast %while3A_541 : i32 to index
        %get3A_634 = arith.constant 240 : index
        %get3A_635 = tpu.vector_load %arg6[%get3A_632, %get3A_633, %get3A_634] {strides = array<i32>} : memref<2x80x256xf32, #tpu.memory_space<vmem>>, vector<1x1x16xf32>,
        %get3A_636 = vector.shape_cast %get3A_635 : vector<1x1x16xf32> to vector<16xf32>
        %add3A_637 = arith.addf %while3A_542, %get3A_561 : vector<16xf32>
        %add3A_638 = arith.addf %while3A_543, %get3A_566 : vector<16xf32>
        %add3A_639 = arith.addf %while3A_544, %get3A_571 : vector<16xf32>
        %add3A_640 = arith.addf %while3A_545, %get3A_576 : vector<16xf32>
        %add3A_641 = arith.addf %while3A_546, %get3A_581 : vector<16xf32>
        %add3A_642 = arith.addf %while3A_547, %get3A_586 : vector<16xf32>
        %add3A_643 = arith.addf %while3A_548, %get3A_591 : vector<16xf32>
        %add3A_644 = arith.addf %while3A_549, %get3A_596 : vector<16xf32>
        %add3A_645 = arith.addf %while3A_550, %get3A_601 : vector<16xf32>
        %add3A_646 = arith.addf %while3A_551, %get3A_606 : vector<16xf32>
        %add3A_647 = arith.addf %while3A_552, %get3A_611 : vector<16xf32>
        %add3A_648 = arith.addf %while3A_553, %get3A_616 : vector<16xf32>
        %add3A_649 = arith.addf %while3A_554, %get3A_621 : vector<16xf32>
        %add3A_650 = arith.addf %while3A_555, %get3A_626 : vector<16xf32>
        %add3A_651 = arith.addf %while3A_556, %get3A_631 : vector<16xf32>
        %add3A_652 = arith.addf %while3A_557, %get3A_636 : vector<16xf32>
        scf.yield %add3A_637, %add3A_638, %add3A_639, %add3A_640, %add3A_641, %add3A_642, %add3A_643, %add3A_644, %add3A_645, %add3A_646, %add3A_647, %add3A_648, %add3A_649, %add3A_650, %add3A_651, %add3A_652 : vector<16xf32>, vector<16xf32>, vector<16xf32>, vector<16xf32>, vector<16xf32>, vector<16xf32>, vector<16xf32>, vector<16xf32>, vector<16xf32>, vector<16xf32>, vector<16xf32>, vector<16xf32>, vector<16xf32>, vector<16xf32>, vector<16xf32>, vector<16xf32>
      }
      %while3A_539 = arith.constant 1 : i32
      %while3A_540:16 = scf.for %while3A_541 = %while3A_536 to %while3A_532 step %while3A_539 iter_args(%while3A_542 = %while3A_538#0, %while3A_543 = %while3A_538#1, %while3A_544 = %while3A_538#2, %while3A_545 = %while3A_538#3, %while3A_546 = %while3A_538#4, %while3A_547 = %while3A_538#5, %while3A_548 = %while3A_538#6, %while3A_549 = %while3A_538#7, %while3A_550 = %while3A_538#8, %while3A_551 = %while3A_538#9, %while3A_552 = %while3A_538#10, %while3A_553 = %while3A_538#11, %while3A_554 = %while3A_538#12, %while3A_555 = %while3A_538#13, %while3A_556 = %while3A_538#14, %while3A_557 = %while3A_538#15) -> (vector<16xf32>, vector<16xf32>, vector<16xf32>, vector<16xf32>, vector<16xf32>, vector<16xf32>, vector<16xf32>, vector<16xf32>, vector<16xf32>, vector<16xf32>, vector<16xf32>, vector<16xf32>, vector<16xf32>, vector<16xf32>, vector<16xf32>, vector<16xf32>)  : i32 {
        %get3A = arith.index_cast %and3A_498 : i32 to index
        %get3A_558 = arith.index_cast %while3A_541 : i32 to index
        %get3A_559 = arith.constant 0 : index
        %get3A_560 = tpu.vector_load %arg6[%get3A, %get3A_558, %get3A_559] {strides = array<i32>} : memref<2x80x256xf32, #tpu.memory_space<vmem>>, vector<1x1x16xf32>,
        %get3A_561 = vector.shape_cast %get3A_560 : vector<1x1x16xf32> to vector<16xf32>
        %get3A_562 = arith.index_cast %and3A_498 : i32 to index
        %get3A_563 = arith.index_cast %while3A_541 : i32 to index
        %get3A_564 = arith.constant 16 : index
        %get3A_565 = tpu.vector_load %arg6[%get3A_562, %get3A_563, %get3A_564] {strides = array<i32>} : memref<2x80x256xf32, #tpu.memory_space<vmem>>, vector<1x1x16xf32>,
        %get3A_566 = vector.shape_cast %get3A_565 : vector<1x1x16xf32> to vector<16xf32>
        %get3A_567 = arith.index_cast %and3A_498 : i32 to index
        %get3A_568 = arith.index_cast %while3A_541 : i32 to index
        %get3A_569 = arith.constant 32 : index
        %get3A_570 = tpu.vector_load %arg6[%get3A_567, %get3A_568, %get3A_569] {strides = array<i32>} : memref<2x80x256xf32, #tpu.memory_space<vmem>>, vector<1x1x16xf32>,
        %get3A_571 = vector.shape_cast %get3A_570 : vector<1x1x16xf32> to vector<16xf32>
        %get3A_572 = arith.index_cast %and3A_498 : i32 to index
        %get3A_573 = arith.index_cast %while3A_541 : i32 to index
        %get3A_574 = arith.constant 48 : index
        %get3A_575 = tpu.vector_load %arg6[%get3A_572, %get3A_573, %get3A_574] {strides = array<i32>} : memref<2x80x256xf32, #tpu.memory_space<vmem>>, vector<1x1x16xf32>,
        %get3A_576 = vector.shape_cast %get3A_575 : vector<1x1x16xf32> to vector<16xf32>
        %get3A_577 = arith.index_cast %and3A_498 : i32 to index
        %get3A_578 = arith.index_cast %while3A_541 : i32 to index
        %get3A_579 = arith.constant 64 : index
        %get3A_580 = tpu.vector_load %arg6[%get3A_577, %get3A_578, %get3A_579] {strides = array<i32>} : memref<2x80x256xf32, #tpu.memory_space<vmem>>, vector<1x1x16xf32>,
        %get3A_581 = vector.shape_cast %get3A_580 : vector<1x1x16xf32> to vector<16xf32>
        %get3A_582 = arith.index_cast %and3A_498 : i32 to index
        %get3A_583 = arith.index_cast %while3A_541 : i32 to index
        %get3A_584 = arith.constant 80 : index
        %get3A_585 = tpu.vector_load %arg6[%get3A_582, %get3A_583, %get3A_584] {strides = array<i32>} : memref<2x80x256xf32, #tpu.memory_space<vmem>>, vector<1x1x16xf32>,
        %get3A_586 = vector.shape_cast %get3A_585 : vector<1x1x16xf32> to vector<16xf32>
        %get3A_587 = arith.index_cast %and3A_498 : i32 to index
        %get3A_588 = arith.index_cast %while3A_541 : i32 to index
        %get3A_589 = arith.constant 96 : index
        %get3A_590 = tpu.vector_load %arg6[%get3A_587, %get3A_588, %get3A_589] {strides = array<i32>} : memref<2x80x256xf32, #tpu.memory_space<vmem>>, vector<1x1x16xf32>,
        %get3A_591 = vector.shape_cast %get3A_590 : vector<1x1x16xf32> to vector<16xf32>
        %get3A_592 = arith.index_cast %and3A_498 : i32 to index
        %get3A_593 = arith.index_cast %while3A_541 : i32 to index
        %get3A_594 = arith.constant 112 : index
        %get3A_595 = tpu.vector_load %arg6[%get3A_592, %get3A_593, %get3A_594] {strides = array<i32>} : memref<2x80x256xf32, #tpu.memory_space<vmem>>, vector<1x1x16xf32>,
        %get3A_596 = vector.shape_cast %get3A_595 : vector<1x1x16xf32> to vector<16xf32>
        %get3A_597 = arith.index_cast %and3A_498 : i32 to index
        %get3A_598 = arith.index_cast %while3A_541 : i32 to index
        %get3A_599 = arith.constant 128 : index
        %get3A_600 = tpu.vector_load %arg6[%get3A_597, %get3A_598, %get3A_599] {strides = array<i32>} : memref<2x80x256xf32, #tpu.memory_space<vmem>>, vector<1x1x16xf32>,
        %get3A_601 = vector.shape_cast %get3A_600 : vector<1x1x16xf32> to vector<16xf32>
        %get3A_602 = arith.index_cast %and3A_498 : i32 to index
        %get3A_603 = arith.index_cast %while3A_541 : i32 to index
        %get3A_604 = arith.constant 144 : index
        %get3A_605 = tpu.vector_load %arg6[%get3A_602, %get3A_603, %get3A_604] {strides = array<i32>} : memref<2x80x256xf32, #tpu.memory_space<vmem>>, vector<1x1x16xf32>,
        %get3A_606 = vector.shape_cast %get3A_605 : vector<1x1x16xf32> to vector<16xf32>
        %get3A_607 = arith.index_cast %and3A_498 : i32 to index
        %get3A_608 = arith.index_cast %while3A_541 : i32 to index
        %get3A_609 = arith.constant 160 : index
        %get3A_610 = tpu.vector_load %arg6[%get3A_607, %get3A_608, %get3A_609] {strides = array<i32>} : memref<2x80x256xf32, #tpu.memory_space<vmem>>, vector<1x1x16xf32>,
        %get3A_611 = vector.shape_cast %get3A_610 : vector<1x1x16xf32> to vector<16xf32>
        %get3A_612 = arith.index_cast %and3A_498 : i32 to index
        %get3A_613 = arith.index_cast %while3A_541 : i32 to index
        %get3A_614 = arith.constant 176 : index
        %get3A_615 = tpu.vector_load %arg6[%get3A_612, %get3A_613, %get3A_614] {strides = array<i32>} : memref<2x80x256xf32, #tpu.memory_space<vmem>>, vector<1x1x16xf32>,
        %get3A_616 = vector.shape_cast %get3A_615 : vector<1x1x16xf32> to vector<16xf32>
        %get3A_617 = arith.index_cast %and3A_498 : i32 to index
        %get3A_618 = arith.index_cast %while3A_541 : i32 to index
        %get3A_619 = arith.constant 192 : index
        %get3A_620 = tpu.vector_load %arg6[%get3A_617, %get3A_618, %get3A_619] {strides = array<i32>} : memref<2x80x256xf32, #tpu.memory_space<vmem>>, vector<1x1x16xf32>,
        %get3A_621 = vector.shape_cast %get3A_620 : vector<1x1x16xf32> to vector<16xf32>
        %get3A_622 = arith.index_cast %and3A_498 : i32 to index
        %get3A_623 = arith.index_cast %while3A_541 : i32 to index
        %get3A_624 = arith.constant 208 : index
        %get3A_625 = tpu.vector_load %arg6[%get3A_622, %get3A_623, %get3A_624] {strides = array<i32>} : memref<2x80x256xf32, #tpu.memory_space<vmem>>, vector<1x1x16xf32>,
        %get3A_626 = vector.shape_cast %get3A_625 : vector<1x1x16xf32> to vector<16xf32>
        %get3A_627 = arith.index_cast %and3A_498 : i32 to index
        %get3A_628 = arith.index_cast %while3A_541 : i32 to index
        %get3A_629 = arith.constant 224 : index
        %get3A_630 = tpu.vector_load %arg6[%get3A_627, %get3A_628, %get3A_629] {strides = array<i32>} : memref<2x80x256xf32, #tpu.memory_space<vmem>>, vector<1x1x16xf32>,
        %get3A_631 = vector.shape_cast %get3A_630 : vector<1x1x16xf32> to vector<16xf32>
        %get3A_632 = arith.index_cast %and3A_498 : i32 to index
        %get3A_633 = arith.index_cast %while3A_541 : i32 to index
        %get3A_634 = arith.constant 240 : index
        %get3A_635 = tpu.vector_load %arg6[%get3A_632, %get3A_633, %get3A_634] {strides = array<i32>} : memref<2x80x256xf32, #tpu.memory_space<vmem>>, vector<1x1x16xf32>,
        %get3A_636 = vector.shape_cast %get3A_635 : vector<1x1x16xf32> to vector<16xf32>
        %add3A_637 = arith.addf %while3A_542, %get3A_561 : vector<16xf32>
        %add3A_638 = arith.addf %while3A_543, %get3A_566 : vector<16xf32>
        %add3A_639 = arith.addf %while3A_544, %get3A_571 : vector<16xf32>
        %add3A_640 = arith.addf %while3A_545, %get3A_576 : vector<16xf32>
        %add3A_641 = arith.addf %while3A_546, %get3A_581 : vector<16xf32>
        %add3A_642 = arith.addf %while3A_547, %get3A_586 : vector<16xf32>
        %add3A_643 = arith.addf %while3A_548, %get3A_591 : vector<16xf32>
        %add3A_644 = arith.addf %while3A_549, %get3A_596 : vector<16xf32>
        %add3A_645 = arith.addf %while3A_550, %get3A_601 : vector<16xf32>
        %add3A_646 = arith.addf %while3A_551, %get3A_606 : vector<16xf32>
        %add3A_647 = arith.addf %while3A_552, %get3A_611 : vector<16xf32>
        %add3A_648 = arith.addf %while3A_553, %get3A_616 : vector<16xf32>
        %add3A_649 = arith.addf %while3A_554, %get3A_621 : vector<16xf32>
        %add3A_650 = arith.addf %while3A_555, %get3A_626 : vector<16xf32>
        %add3A_651 = arith.addf %while3A_556, %get3A_631 : vector<16xf32>
        %add3A_652 = arith.addf %while3A_557, %get3A_636 : vector<16xf32>
        scf.yield %add3A_637, %add3A_638, %add3A_639, %add3A_640, %add3A_641, %add3A_642, %add3A_643, %add3A_644, %add3A_645, %add3A_646, %add3A_647, %add3A_648, %add3A_649, %add3A_650, %add3A_651, %add3A_652 : vector<16xf32>, vector<16xf32>, vector<16xf32>, vector<16xf32>, vector<16xf32>, vector<16xf32>, vector<16xf32>, vector<16xf32>, vector<16xf32>, vector<16xf32>, vector<16xf32>, vector<16xf32>, vector<16xf32>, vector<16xf32>, vector<16xf32>, vector<16xf32>
      }
      scf.yield %while3A_540#0, %while3A_540#1, %while3A_540#2, %while3A_540#3, %while3A_540#4, %while3A_540#5, %while3A_540#6, %while3A_540#7, %while3A_540#8, %while3A_540#9, %while3A_540#10, %while3A_540#11, %while3A_540#12, %while3A_540#13, %while3A_540#14, %while3A_540#15 : vector<16xf32>, vector<16xf32>, vector<16xf32>, vector<16xf32>, vector<16xf32>, vector<16xf32>, vector<16xf32>, vector<16xf32>, vector<16xf32>, vector<16xf32>, vector<16xf32>, vector<16xf32>, vector<16xf32>, vector<16xf32>, vector<16xf32>, vector<16xf32>
    }
    %while3A_359 = arith.constant 1 : i32
    %while3A_360:16 = scf.for %while3A_480 = %while3A_356 to %while3A_352 step %while3A_359 iter_args(%while3A_481 = %while3A_358#0, %while3A_482 = %while3A_358#1, %while3A_483 = %while3A_358#2, %while3A_484 = %while3A_358#3, %while3A_485 = %while3A_358#4, %while3A_486 = %while3A_358#5, %while3A_487 = %while3A_358#6, %while3A_488 = %while3A_358#7, %while3A_489 = %while3A_358#8, %while3A_490 = %while3A_358#9, %while3A_491 = %while3A_358#10, %while3A_492 = %while3A_358#11, %while3A_493 = %while3A_358#12, %while3A_494 = %while3A_358#13, %while3A_495 = %while3A_358#14, %while3A_496 = %while3A_358#15) -> (vector<16xf32>, vector<16xf32>, vector<16xf32>, vector<16xf32>, vector<16xf32>, vector<16xf32>, vector<16xf32>, vector<16xf32>, vector<16xf32>, vector<16xf32>, vector<16xf32>, vector<16xf32>, vector<16xf32>, vector<16xf32>, vector<16xf32>, vector<16xf32>)  : i32 {
      %and3A_497 = arith.constant 1 : i32
      %and3A_498 = arith.andi %while3A_480, %and3A_497 : i32
      %mul3A_499 = arith.constant 80 : i32
      %mul3A_500 = arith.muli %while3A_480, %mul3A_499 : i32
      %add3A_501 = arith.addi %and3A_314, %mul3A_500 : i32
      %mul3A_502 = arith.constant 80 : i32
      %mul3A_503 = arith.muli %while3A_480, %mul3A_502 : i32
      %add3A_504 = arith.addi %and3A_314, %mul3A_503 : i32
      %min3A_505 = arith.constant 9920 : i32
      %min3A_506 = arith.minsi %add3A_504, %min3A_505 : i32
      %multiple_of3A = tpu.assume_multiple %min3A_506, 8 : i32
      %dma_wait3A = arith.constant 0 : i32
      %dma_wait3A_507 = arith.constant 0 : i32
      %dma_wait3A_508 = tpu.memref_slice %arg6[%and3A_498, %dma_wait3A, %dma_wait3A_507] : memref<2x80x256xf32, #tpu.memory_space<vmem>> -> memref<1x80x256xf32, #tpu.memory_space<vmem>>
      %dma_wait3A_509 = tpu.memref_squeeze %dma_wait3A_508 : memref<1x80x256xf32, #tpu.memory_space<vmem>> -> memref<80x256xf32, #tpu.memory_space<vmem>>
      %dma_wait3A_510 = arith.constant 0 : i32
      %dma_wait3A_511 = tpu.memref_slice %arg2[%multiple_of3A, %dma_wait3A_510] : memref<10000x256xf32, #tpu.memory_space<hbm>> -> memref<80x256xf32, #tpu.memory_space<hbm>>
      %dma_wait3A_512 = tpu.memref_slice %arg8[%and3A_498] : memref<2x!tpu.dma_semaphore, #tpu.memory_space<semaphore_mem>> -> memref<1x!tpu.dma_semaphore, #tpu.memory_space<semaphore_mem>>
      %dma_wait3A_513 = tpu.memref_squeeze %dma_wait3A_512 : memref<1x!tpu.dma_semaphore, #tpu.memory_space<semaphore_mem>> -> memref<!tpu.dma_semaphore, #tpu.memory_space<semaphore_mem>>
      %dma_wait3A_514 = arith.constant 0 : i32
      %dma_wait3A_515 = arith.constant 0 : i32
      %dma_wait3A_516 = tpu.memref_slice %arg6[%and3A_498, %dma_wait3A_514, %dma_wait3A_515] : memref<2x80x256xf32, #tpu.memory_space<vmem>> -> memref<1x80x256xf32, #tpu.memory_space<vmem>>
      %dma_wait3A_517 = tpu.memref_squeeze %dma_wait3A_516 : memref<1x80x256xf32, #tpu.memory_space<vmem>> -> memref<80x256xf32, #tpu.memory_space<vmem>>
      %dma_wait3A_518 = arith.constant 0 : i32
      %dma_wait3A_519 = tpu.memref_slice %arg2[%multiple_of3A, %dma_wait3A_518] : memref<10000x256xf32, #tpu.memory_space<hbm>> -> memref<80x256xf32, #tpu.memory_space<hbm>>
      tpu.wait_dma2 semaphore(%dma_wait3A_513 : memref<!tpu.dma_semaphore, #tpu.memory_space<semaphore_mem>>) src(%dma_wait3A_519 : memref<80x256xf32, #tpu.memory_space<hbm>>) dst(%dma_wait3A_517 : memref<80x256xf32, #tpu.memory_space<vmem>>)
      %add3A_520 = arith.constant 1 : i32
      %add3A_521 = arith.addi %while3A_480, %add3A_520 : i32
      %lt3A = arith.cmpi slt, %add3A_521, %mul3A_344 : i32
      %convert_element_type3A_522 = arith.extui %lt3A : i1 to i32
      %cond3A_523 = arith.constant 0 : i32
      %cond3A_524 = arith.cmpi ne, %convert_element_type3A_522, %cond3A_523 : i32
      scf.if %cond3A_524 {
        %add3A_541 = arith.constant 1 : i32
        %add3A_542 = arith.addi %while3A_480, %add3A_541 : i32
        %mul3A_543 = arith.constant 80 : i32
        %mul3A_544 = arith.muli %add3A_542, %mul3A_543 : i32
        %add3A_545 = arith.addi %and3A_314, %mul3A_544 : i32
        %min3A_546 = arith.constant 9920 : i32
        %min3A_547 = arith.minsi %add3A_545, %min3A_546 : i32
        %multiple_of3A_548 = tpu.assume_multiple %min3A_547, 8 : i32
        %add3A_549 = arith.constant 1 : i32
        %add3A_550 = arith.addi %while3A_480, %add3A_549 : i32
        %and3A_551 = arith.constant 1 : i32
        %and3A_552 = arith.andi %add3A_550, %and3A_551 : i32
        %add3A_553 = arith.constant 1 : i32
        %add3A_554 = arith.addi %while3A_480, %add3A_553 : i32
        %and3A_555 = arith.constant 1 : i32
        %and3A_556 = arith.andi %add3A_554, %and3A_555 : i32
        %dma_start3A = arith.constant 0 : i32
        %dma_start3A_557 = arith.constant 0 : i32
        %dma_start3A_558 = tpu.memref_slice %arg6[%and3A_552, %dma_start3A, %dma_start3A_557] : memref<2x80x256xf32, #tpu.memory_space<vmem>> -> memref<1x80x256xf32, #tpu.memory_space<vmem>>
        %dma_start3A_559 = tpu.memref_squeeze %dma_start3A_558 : memref<1x80x256xf32, #tpu.memory_space<vmem>> -> memref<80x256xf32, #tpu.memory_space<vmem>>
        %dma_start3A_560 = arith.constant 0 : i32
        %dma_start3A_561 = tpu.memref_slice %arg2[%multiple_of3A_548, %dma_start3A_560] : memref<10000x256xf32, #tpu.memory_space<hbm>> -> memref<80x256xf32, #tpu.memory_space<hbm>>
        %dma_start3A_562 = tpu.memref_slice %arg8[%and3A_556] : memref<2x!tpu.dma_semaphore, #tpu.memory_space<semaphore_mem>> -> memref<1x!tpu.dma_semaphore, #tpu.memory_space<semaphore_mem>>
        %dma_start3A_563 = tpu.memref_squeeze %dma_start3A_562 : memref<1x!tpu.dma_semaphore, #tpu.memory_space<semaphore_mem>> -> memref<!tpu.dma_semaphore, #tpu.memory_space<semaphore_mem>>
        %dma_start3A_564 = arith.constant 0 : i32
        %dma_start3A_565 = arith.constant 0 : i32
        %dma_start3A_566 = tpu.memref_slice %arg6[%and3A_552, %dma_start3A_564, %dma_start3A_565] : memref<2x80x256xf32, #tpu.memory_space<vmem>> -> memref<1x80x256xf32, #tpu.memory_space<vmem>>
        %dma_start3A_567 = tpu.memref_squeeze %dma_start3A_566 : memref<1x80x256xf32, #tpu.memory_space<vmem>> -> memref<80x256xf32, #tpu.memory_space<vmem>>
        %dma_start3A_568 = arith.constant 0 : i32
        %dma_start3A_569 = tpu.memref_slice %arg2[%multiple_of3A_548, %dma_start3A_568] : memref<10000x256xf32, #tpu.memory_space<hbm>> -> memref<80x256xf32, #tpu.memory_space<hbm>>
        tpu.enqueue_dma source(%dma_start3A_569 : memref<80x256xf32, #tpu.memory_space<hbm>>) target(%dma_start3A_567 : memref<80x256xf32, #tpu.memory_space<vmem>>) target_semaphore(%dma_start3A_563 : memref<!tpu.dma_semaphore, #tpu.memory_space<semaphore_mem>>)
      } else {
      }
      %max3A_525 = arith.maxsi %add3A_109, %add3A_501 : i32
      %sub3A_526 = arith.subi %max3A_525, %multiple_of3A : i32
      %add3A_527 = arith.constant 80 : i32
      %add3A_528 = arith.addi %add3A_501, %add3A_527 : i32
      %min3A_529 = arith.minsi %add3A_156, %add3A_528 : i32
      %sub3A_530 = arith.subi %min3A_529, %multiple_of3A : i32
      %while3A_531 = arith.subi %sub3A_530, %sub3A_526 : i32
      %while3A_532 = arith.addi %sub3A_526, %while3A_531 : i32
      %while3A_533 = arith.constant 1 : i32
      %while3A_534 = arith.divsi %while3A_531, %while3A_533 : i32
      %while3A_535 = arith.muli %while3A_534, %while3A_533 : i32
      %while3A_536 = arith.addi %sub3A_526, %while3A_535 : i32
      %while3A_537 = arith.constant 1 : i32
      %while3A_538:16 = scf.for %while3A_541 = %sub3A_526 to %while3A_536 step %while3A_537 iter_args(%while3A_542 = %while3A_481, %while3A_543 = %while3A_482, %while3A_544 = %while3A_483, %while3A_545 = %while3A_484, %while3A_546 = %while3A_485, %while3A_547 = %while3A_486, %while3A_548 = %while3A_487, %while3A_549 = %while3A_488, %while3A_550 = %while3A_489, %while3A_551 = %while3A_490, %while3A_552 = %while3A_491, %while3A_553 = %while3A_492, %while3A_554 = %while3A_493, %while3A_555 = %while3A_494, %while3A_556 = %while3A_495, %while3A_557 = %while3A_496) -> (vector<16xf32>, vector<16xf32>, vector<16xf32>, vector<16xf32>, vector<16xf32>, vector<16xf32>, vector<16xf32>, vector<16xf32>, vector<16xf32>, vector<16xf32>, vector<16xf32>, vector<16xf32>, vector<16xf32>, vector<16xf32>, vector<16xf32>, vector<16xf32>)  : i32 {
        %get3A = arith.index_cast %and3A_498 : i32 to index
        %get3A_558 = arith.index_cast %while3A_541 : i32 to index
        %get3A_559 = arith.constant 0 : index
        %get3A_560 = tpu.vector_load %arg6[%get3A, %get3A_558, %get3A_559] {strides = array<i32>} : memref<2x80x256xf32, #tpu.memory_space<vmem>>, vector<1x1x16xf32>,
        %get3A_561 = vector.shape_cast %get3A_560 : vector<1x1x16xf32> to vector<16xf32>
        %get3A_562 = arith.index_cast %and3A_498 : i32 to index
        %get3A_563 = arith.index_cast %while3A_541 : i32 to index
        %get3A_564 = arith.constant 16 : index
        %get3A_565 = tpu.vector_load %arg6[%get3A_562, %get3A_563, %get3A_564] {strides = array<i32>} : memref<2x80x256xf32, #tpu.memory_space<vmem>>, vector<1x1x16xf32>,
        %get3A_566 = vector.shape_cast %get3A_565 : vector<1x1x16xf32> to vector<16xf32>
        %get3A_567 = arith.index_cast %and3A_498 : i32 to index
        %get3A_568 = arith.index_cast %while3A_541 : i32 to index
        %get3A_569 = arith.constant 32 : index
        %get3A_570 = tpu.vector_load %arg6[%get3A_567, %get3A_568, %get3A_569] {strides = array<i32>} : memref<2x80x256xf32, #tpu.memory_space<vmem>>, vector<1x1x16xf32>,
        %get3A_571 = vector.shape_cast %get3A_570 : vector<1x1x16xf32> to vector<16xf32>
        %get3A_572 = arith.index_cast %and3A_498 : i32 to index
        %get3A_573 = arith.index_cast %while3A_541 : i32 to index
        %get3A_574 = arith.constant 48 : index
        %get3A_575 = tpu.vector_load %arg6[%get3A_572, %get3A_573, %get3A_574] {strides = array<i32>} : memref<2x80x256xf32, #tpu.memory_space<vmem>>, vector<1x1x16xf32>,
        %get3A_576 = vector.shape_cast %get3A_575 : vector<1x1x16xf32> to vector<16xf32>
        %get3A_577 = arith.index_cast %and3A_498 : i32 to index
        %get3A_578 = arith.index_cast %while3A_541 : i32 to index
        %get3A_579 = arith.constant 64 : index
        %get3A_580 = tpu.vector_load %arg6[%get3A_577, %get3A_578, %get3A_579] {strides = array<i32>} : memref<2x80x256xf32, #tpu.memory_space<vmem>>, vector<1x1x16xf32>,
        %get3A_581 = vector.shape_cast %get3A_580 : vector<1x1x16xf32> to vector<16xf32>
        %get3A_582 = arith.index_cast %and3A_498 : i32 to index
        %get3A_583 = arith.index_cast %while3A_541 : i32 to index
        %get3A_584 = arith.constant 80 : index
        %get3A_585 = tpu.vector_load %arg6[%get3A_582, %get3A_583, %get3A_584] {strides = array<i32>} : memref<2x80x256xf32, #tpu.memory_space<vmem>>, vector<1x1x16xf32>,
        %get3A_586 = vector.shape_cast %get3A_585 : vector<1x1x16xf32> to vector<16xf32>
        %get3A_587 = arith.index_cast %and3A_498 : i32 to index
        %get3A_588 = arith.index_cast %while3A_541 : i32 to index
        %get3A_589 = arith.constant 96 : index
        %get3A_590 = tpu.vector_load %arg6[%get3A_587, %get3A_588, %get3A_589] {strides = array<i32>} : memref<2x80x256xf32, #tpu.memory_space<vmem>>, vector<1x1x16xf32>,
        %get3A_591 = vector.shape_cast %get3A_590 : vector<1x1x16xf32> to vector<16xf32>
        %get3A_592 = arith.index_cast %and3A_498 : i32 to index
        %get3A_593 = arith.index_cast %while3A_541 : i32 to index
        %get3A_594 = arith.constant 112 : index
        %get3A_595 = tpu.vector_load %arg6[%get3A_592, %get3A_593, %get3A_594] {strides = array<i32>} : memref<2x80x256xf32, #tpu.memory_space<vmem>>, vector<1x1x16xf32>,
        %get3A_596 = vector.shape_cast %get3A_595 : vector<1x1x16xf32> to vector<16xf32>
        %get3A_597 = arith.index_cast %and3A_498 : i32 to index
        %get3A_598 = arith.index_cast %while3A_541 : i32 to index
        %get3A_599 = arith.constant 128 : index
        %get3A_600 = tpu.vector_load %arg6[%get3A_597, %get3A_598, %get3A_599] {strides = array<i32>} : memref<2x80x256xf32, #tpu.memory_space<vmem>>, vector<1x1x16xf32>,
        %get3A_601 = vector.shape_cast %get3A_600 : vector<1x1x16xf32> to vector<16xf32>
        %get3A_602 = arith.index_cast %and3A_498 : i32 to index
        %get3A_603 = arith.index_cast %while3A_541 : i32 to index
        %get3A_604 = arith.constant 144 : index
        %get3A_605 = tpu.vector_load %arg6[%get3A_602, %get3A_603, %get3A_604] {strides = array<i32>} : memref<2x80x256xf32, #tpu.memory_space<vmem>>, vector<1x1x16xf32>,
        %get3A_606 = vector.shape_cast %get3A_605 : vector<1x1x16xf32> to vector<16xf32>
        %get3A_607 = arith.index_cast %and3A_498 : i32 to index
        %get3A_608 = arith.index_cast %while3A_541 : i32 to index
        %get3A_609 = arith.constant 160 : index
        %get3A_610 = tpu.vector_load %arg6[%get3A_607, %get3A_608, %get3A_609] {strides = array<i32>} : memref<2x80x256xf32, #tpu.memory_space<vmem>>, vector<1x1x16xf32>,
        %get3A_611 = vector.shape_cast %get3A_610 : vector<1x1x16xf32> to vector<16xf32>
        %get3A_612 = arith.index_cast %and3A_498 : i32 to index
        %get3A_613 = arith.index_cast %while3A_541 : i32 to index
        %get3A_614 = arith.constant 176 : index
        %get3A_615 = tpu.vector_load %arg6[%get3A_612, %get3A_613, %get3A_614] {strides = array<i32>} : memref<2x80x256xf32, #tpu.memory_space<vmem>>, vector<1x1x16xf32>,
        %get3A_616 = vector.shape_cast %get3A_615 : vector<1x1x16xf32> to vector<16xf32>
        %get3A_617 = arith.index_cast %and3A_498 : i32 to index
        %get3A_618 = arith.index_cast %while3A_541 : i32 to index
        %get3A_619 = arith.constant 192 : index
        %get3A_620 = tpu.vector_load %arg6[%get3A_617, %get3A_618, %get3A_619] {strides = array<i32>} : memref<2x80x256xf32, #tpu.memory_space<vmem>>, vector<1x1x16xf32>,
        %get3A_621 = vector.shape_cast %get3A_620 : vector<1x1x16xf32> to vector<16xf32>
        %get3A_622 = arith.index_cast %and3A_498 : i32 to index
        %get3A_623 = arith.index_cast %while3A_541 : i32 to index
        %get3A_624 = arith.constant 208 : index
        %get3A_625 = tpu.vector_load %arg6[%get3A_622, %get3A_623, %get3A_624] {strides = array<i32>} : memref<2x80x256xf32, #tpu.memory_space<vmem>>, vector<1x1x16xf32>,
        %get3A_626 = vector.shape_cast %get3A_625 : vector<1x1x16xf32> to vector<16xf32>
        %get3A_627 = arith.index_cast %and3A_498 : i32 to index
        %get3A_628 = arith.index_cast %while3A_541 : i32 to index
        %get3A_629 = arith.constant 224 : index
        %get3A_630 = tpu.vector_load %arg6[%get3A_627, %get3A_628, %get3A_629] {strides = array<i32>} : memref<2x80x256xf32, #tpu.memory_space<vmem>>, vector<1x1x16xf32>,
        %get3A_631 = vector.shape_cast %get3A_630 : vector<1x1x16xf32> to vector<16xf32>
        %get3A_632 = arith.index_cast %and3A_498 : i32 to index
        %get3A_633 = arith.index_cast %while3A_541 : i32 to index
        %get3A_634 = arith.constant 240 : index
        %get3A_635 = tpu.vector_load %arg6[%get3A_632, %get3A_633, %get3A_634] {strides = array<i32>} : memref<2x80x256xf32, #tpu.memory_space<vmem>>, vector<1x1x16xf32>,
        %get3A_636 = vector.shape_cast %get3A_635 : vector<1x1x16xf32> to vector<16xf32>
        %add3A_637 = arith.addf %while3A_542, %get3A_561 : vector<16xf32>
        %add3A_638 = arith.addf %while3A_543, %get3A_566 : vector<16xf32>
        %add3A_639 = arith.addf %while3A_544, %get3A_571 : vector<16xf32>
        %add3A_640 = arith.addf %while3A_545, %get3A_576 : vector<16xf32>
        %add3A_641 = arith.addf %while3A_546, %get3A_581 : vector<16xf32>
        %add3A_642 = arith.addf %while3A_547, %get3A_586 : vector<16xf32>
        %add3A_643 = arith.addf %while3A_548, %get3A_591 : vector<16xf32>
        %add3A_644 = arith.addf %while3A_549, %get3A_596 : vector<16xf32>
        %add3A_645 = arith.addf %while3A_550, %get3A_601 : vector<16xf32>
        %add3A_646 = arith.addf %while3A_551, %get3A_606 : vector<16xf32>
        %add3A_647 = arith.addf %while3A_552, %get3A_611 : vector<16xf32>
        %add3A_648 = arith.addf %while3A_553, %get3A_616 : vector<16xf32>
        %add3A_649 = arith.addf %while3A_554, %get3A_621 : vector<16xf32>
        %add3A_650 = arith.addf %while3A_555, %get3A_626 : vector<16xf32>
        %add3A_651 = arith.addf %while3A_556, %get3A_631 : vector<16xf32>
        %add3A_652 = arith.addf %while3A_557, %get3A_636 : vector<16xf32>
        scf.yield %add3A_637, %add3A_638, %add3A_639, %add3A_640, %add3A_641, %add3A_642, %add3A_643, %add3A_644, %add3A_645, %add3A_646, %add3A_647, %add3A_648, %add3A_649, %add3A_650, %add3A_651, %add3A_652 : vector<16xf32>, vector<16xf32>, vector<16xf32>, vector<16xf32>, vector<16xf32>, vector<16xf32>, vector<16xf32>, vector<16xf32>, vector<16xf32>, vector<16xf32>, vector<16xf32>, vector<16xf32>, vector<16xf32>, vector<16xf32>, vector<16xf32>, vector<16xf32>
      }
      %while3A_539 = arith.constant 1 : i32
      %while3A_540:16 = scf.for %while3A_541 = %while3A_536 to %while3A_532 step %while3A_539 iter_args(%while3A_542 = %while3A_538#0, %while3A_543 = %while3A_538#1, %while3A_544 = %while3A_538#2, %while3A_545 = %while3A_538#3, %while3A_546 = %while3A_538#4, %while3A_547 = %while3A_538#5, %while3A_548 = %while3A_538#6, %while3A_549 = %while3A_538#7, %while3A_550 = %while3A_538#8, %while3A_551 = %while3A_538#9, %while3A_552 = %while3A_538#10, %while3A_553 = %while3A_538#11, %while3A_554 = %while3A_538#12, %while3A_555 = %while3A_538#13, %while3A_556 = %while3A_538#14, %while3A_557 = %while3A_538#15) -> (vector<16xf32>, vector<16xf32>, vector<16xf32>, vector<16xf32>, vector<16xf32>, vector<16xf32>, vector<16xf32>, vector<16xf32>, vector<16xf32>, vector<16xf32>, vector<16xf32>, vector<16xf32>, vector<16xf32>, vector<16xf32>, vector<16xf32>, vector<16xf32>)  : i32 {
        %get3A = arith.index_cast %and3A_498 : i32 to index
        %get3A_558 = arith.index_cast %while3A_541 : i32 to index
        %get3A_559 = arith.constant 0 : index
        %get3A_560 = tpu.vector_load %arg6[%get3A, %get3A_558, %get3A_559] {strides = array<i32>} : memref<2x80x256xf32, #tpu.memory_space<vmem>>, vector<1x1x16xf32>,
        %get3A_561 = vector.shape_cast %get3A_560 : vector<1x1x16xf32> to vector<16xf32>
        %get3A_562 = arith.index_cast %and3A_498 : i32 to index
        %get3A_563 = arith.index_cast %while3A_541 : i32 to index
        %get3A_564 = arith.constant 16 : index
        %get3A_565 = tpu.vector_load %arg6[%get3A_562, %get3A_563, %get3A_564] {strides = array<i32>} : memref<2x80x256xf32, #tpu.memory_space<vmem>>, vector<1x1x16xf32>,
        %get3A_566 = vector.shape_cast %get3A_565 : vector<1x1x16xf32> to vector<16xf32>
        %get3A_567 = arith.index_cast %and3A_498 : i32 to index
        %get3A_568 = arith.index_cast %while3A_541 : i32 to index
        %get3A_569 = arith.constant 32 : index
        %get3A_570 = tpu.vector_load %arg6[%get3A_567, %get3A_568, %get3A_569] {strides = array<i32>} : memref<2x80x256xf32, #tpu.memory_space<vmem>>, vector<1x1x16xf32>,
        %get3A_571 = vector.shape_cast %get3A_570 : vector<1x1x16xf32> to vector<16xf32>
        %get3A_572 = arith.index_cast %and3A_498 : i32 to index
        %get3A_573 = arith.index_cast %while3A_541 : i32 to index
        %get3A_574 = arith.constant 48 : index
        %get3A_575 = tpu.vector_load %arg6[%get3A_572, %get3A_573, %get3A_574] {strides = array<i32>} : memref<2x80x256xf32, #tpu.memory_space<vmem>>, vector<1x1x16xf32>,
        %get3A_576 = vector.shape_cast %get3A_575 : vector<1x1x16xf32> to vector<16xf32>
        %get3A_577 = arith.index_cast %and3A_498 : i32 to index
        %get3A_578 = arith.index_cast %while3A_541 : i32 to index
        %get3A_579 = arith.constant 64 : index
        %get3A_580 = tpu.vector_load %arg6[%get3A_577, %get3A_578, %get3A_579] {strides = array<i32>} : memref<2x80x256xf32, #tpu.memory_space<vmem>>, vector<1x1x16xf32>,
        %get3A_581 = vector.shape_cast %get3A_580 : vector<1x1x16xf32> to vector<16xf32>
        %get3A_582 = arith.index_cast %and3A_498 : i32 to index
        %get3A_583 = arith.index_cast %while3A_541 : i32 to index
        %get3A_584 = arith.constant 80 : index
        %get3A_585 = tpu.vector_load %arg6[%get3A_582, %get3A_583, %get3A_584] {strides = array<i32>} : memref<2x80x256xf32, #tpu.memory_space<vmem>>, vector<1x1x16xf32>,
        %get3A_586 = vector.shape_cast %get3A_585 : vector<1x1x16xf32> to vector<16xf32>
        %get3A_587 = arith.index_cast %and3A_498 : i32 to index
        %get3A_588 = arith.index_cast %while3A_541 : i32 to index
        %get3A_589 = arith.constant 96 : index
        %get3A_590 = tpu.vector_load %arg6[%get3A_587, %get3A_588, %get3A_589] {strides = array<i32>} : memref<2x80x256xf32, #tpu.memory_space<vmem>>, vector<1x1x16xf32>,
        %get3A_591 = vector.shape_cast %get3A_590 : vector<1x1x16xf32> to vector<16xf32>
        %get3A_592 = arith.index_cast %and3A_498 : i32 to index
        %get3A_593 = arith.index_cast %while3A_541 : i32 to index
        %get3A_594 = arith.constant 112 : index
        %get3A_595 = tpu.vector_load %arg6[%get3A_592, %get3A_593, %get3A_594] {strides = array<i32>} : memref<2x80x256xf32, #tpu.memory_space<vmem>>, vector<1x1x16xf32>,
        %get3A_596 = vector.shape_cast %get3A_595 : vector<1x1x16xf32> to vector<16xf32>
        %get3A_597 = arith.index_cast %and3A_498 : i32 to index
        %get3A_598 = arith.index_cast %while3A_541 : i32 to index
        %get3A_599 = arith.constant 128 : index
        %get3A_600 = tpu.vector_load %arg6[%get3A_597, %get3A_598, %get3A_599] {strides = array<i32>} : memref<2x80x256xf32, #tpu.memory_space<vmem>>, vector<1x1x16xf32>,
        %get3A_601 = vector.shape_cast %get3A_600 : vector<1x1x16xf32> to vector<16xf32>
        %get3A_602 = arith.index_cast %and3A_498 : i32 to index
        %get3A_603 = arith.index_cast %while3A_541 : i32 to index
        %get3A_604 = arith.constant 144 : index
        %get3A_605 = tpu.vector_load %arg6[%get3A_602, %get3A_603, %get3A_604] {strides = array<i32>} : memref<2x80x256xf32, #tpu.memory_space<vmem>>, vector<1x1x16xf32>,
        %get3A_606 = vector.shape_cast %get3A_605 : vector<1x1x16xf32> to vector<16xf32>
        %get3A_607 = arith.index_cast %and3A_498 : i32 to index
        %get3A_608 = arith.index_cast %while3A_541 : i32 to index
        %get3A_609 = arith.constant 160 : index
        %get3A_610 = tpu.vector_load %arg6[%get3A_607, %get3A_608, %get3A_609] {strides = array<i32>} : memref<2x80x256xf32, #tpu.memory_space<vmem>>, vector<1x1x16xf32>,
        %get3A_611 = vector.shape_cast %get3A_610 : vector<1x1x16xf32> to vector<16xf32>
        %get3A_612 = arith.index_cast %and3A_498 : i32 to index
        %get3A_613 = arith.index_cast %while3A_541 : i32 to index
        %get3A_614 = arith.constant 176 : index
        %get3A_615 = tpu.vector_load %arg6[%get3A_612, %get3A_613, %get3A_614] {strides = array<i32>} : memref<2x80x256xf32, #tpu.memory_space<vmem>>, vector<1x1x16xf32>,
        %get3A_616 = vector.shape_cast %get3A_615 : vector<1x1x16xf32> to vector<16xf32>
        %get3A_617 = arith.index_cast %and3A_498 : i32 to index
        %get3A_618 = arith.index_cast %while3A_541 : i32 to index
        %get3A_619 = arith.constant 192 : index
        %get3A_620 = tpu.vector_load %arg6[%get3A_617, %get3A_618, %get3A_619] {strides = array<i32>} : memref<2x80x256xf32, #tpu.memory_space<vmem>>, vector<1x1x16xf32>,
        %get3A_621 = vector.shape_cast %get3A_620 : vector<1x1x16xf32> to vector<16xf32>
        %get3A_622 = arith.index_cast %and3A_498 : i32 to index
        %get3A_623 = arith.index_cast %while3A_541 : i32 to index
        %get3A_624 = arith.constant 208 : index
        %get3A_625 = tpu.vector_load %arg6[%get3A_622, %get3A_623, %get3A_624] {strides = array<i32>} : memref<2x80x256xf32, #tpu.memory_space<vmem>>, vector<1x1x16xf32>,
        %get3A_626 = vector.shape_cast %get3A_625 : vector<1x1x16xf32> to vector<16xf32>
        %get3A_627 = arith.index_cast %and3A_498 : i32 to index
        %get3A_628 = arith.index_cast %while3A_541 : i32 to index
        %get3A_629 = arith.constant 224 : index
        %get3A_630 = tpu.vector_load %arg6[%get3A_627, %get3A_628, %get3A_629] {strides = array<i32>} : memref<2x80x256xf32, #tpu.memory_space<vmem>>, vector<1x1x16xf32>,
        %get3A_631 = vector.shape_cast %get3A_630 : vector<1x1x16xf32> to vector<16xf32>
        %get3A_632 = arith.index_cast %and3A_498 : i32 to index
        %get3A_633 = arith.index_cast %while3A_541 : i32 to index
        %get3A_634 = arith.constant 240 : index
        %get3A_635 = tpu.vector_load %arg6[%get3A_632, %get3A_633, %get3A_634] {strides = array<i32>} : memref<2x80x256xf32, #tpu.memory_space<vmem>>, vector<1x1x16xf32>,
        %get3A_636 = vector.shape_cast %get3A_635 : vector<1x1x16xf32> to vector<16xf32>
        %add3A_637 = arith.addf %while3A_542, %get3A_561 : vector<16xf32>
        %add3A_638 = arith.addf %while3A_543, %get3A_566 : vector<16xf32>
        %add3A_639 = arith.addf %while3A_544, %get3A_571 : vector<16xf32>
        %add3A_640 = arith.addf %while3A_545, %get3A_576 : vector<16xf32>
        %add3A_641 = arith.addf %while3A_546, %get3A_581 : vector<16xf32>
        %add3A_642 = arith.addf %while3A_547, %get3A_586 : vector<16xf32>
        %add3A_643 = arith.addf %while3A_548, %get3A_591 : vector<16xf32>
        %add3A_644 = arith.addf %while3A_549, %get3A_596 : vector<16xf32>
        %add3A_645 = arith.addf %while3A_550, %get3A_601 : vector<16xf32>
        %add3A_646 = arith.addf %while3A_551, %get3A_606 : vector<16xf32>
        %add3A_647 = arith.addf %while3A_552, %get3A_611 : vector<16xf32>
        %add3A_648 = arith.addf %while3A_553, %get3A_616 : vector<16xf32>
        %add3A_649 = arith.addf %while3A_554, %get3A_621 : vector<16xf32>
        %add3A_650 = arith.addf %while3A_555, %get3A_626 : vector<16xf32>
        %add3A_651 = arith.addf %while3A_556, %get3A_631 : vector<16xf32>
        %add3A_652 = arith.addf %while3A_557, %get3A_636 : vector<16xf32>
        scf.yield %add3A_637, %add3A_638, %add3A_639, %add3A_640, %add3A_641, %add3A_642, %add3A_643, %add3A_644, %add3A_645, %add3A_646, %add3A_647, %add3A_648, %add3A_649, %add3A_650, %add3A_651, %add3A_652 : vector<16xf32>, vector<16xf32>, vector<16xf32>, vector<16xf32>, vector<16xf32>, vector<16xf32>, vector<16xf32>, vector<16xf32>, vector<16xf32>, vector<16xf32>, vector<16xf32>, vector<16xf32>, vector<16xf32>, vector<16xf32>, vector<16xf32>, vector<16xf32>
      }
      scf.yield %while3A_540#0, %while3A_540#1, %while3A_540#2, %while3A_540#3, %while3A_540#4, %while3A_540#5, %while3A_540#6, %while3A_540#7, %while3A_540#8, %while3A_540#9, %while3A_540#10, %while3A_540#11, %while3A_540#12, %while3A_540#13, %while3A_540#14, %while3A_540#15 : vector<16xf32>, vector<16xf32>, vector<16xf32>, vector<16xf32>, vector<16xf32>, vector<16xf32>, vector<16xf32>, vector<16xf32>, vector<16xf32>, vector<16xf32>, vector<16xf32>, vector<16xf32>, vector<16xf32>, vector<16xf32>, vector<16xf32>, vector<16xf32>
    }
    %max3A_361 = arith.constant 1 : i32
    %max3A_362 = arith.maxsi %sub3A_312, %max3A_361 : i32
    %broadcast_in_dim3A_363 = vector.broadcast %max3A_362 : i32 to vector<16xi32>
    %convert_element_type3A_364 = arith.sitofp %broadcast_in_dim3A_363 : vector<16xi32> to vector<16xf32>
    %broadcast_in_dim3A_365 = arith.constant 1.000000e+00 : f32
    %broadcast_in_dim3A_366 = vector.broadcast %broadcast_in_dim3A_365 : f32 to vector<16xf32>
    %div3A_367 = arith.divf %broadcast_in_dim3A_366, %convert_element_type3A_364 : vector<16xf32>
    %mul3A_368 = arith.mulf %while3A_360#0, %div3A_367 : vector<16xf32>
    %swap3A_369 = arith.constant 1 : i32
    %swap3A_370 = arith.index_cast %swap3A_369 : i32 to index
    %swap3A_371 = arith.constant 0 : index
    %swap3A_372 = tpu.vector_load %arg7[%swap3A_370, %swap3A_371] {strides = array<i32>} : memref<2x256xf32, #tpu.memory_space<vmem>>, vector<1x16xf32>,
    %swap3A_373 = vector.shape_cast %swap3A_372 : vector<1x16xf32> to vector<16xf32>
    %swap3A_374 = vector.shape_cast %mul3A_368 : vector<16xf32> to vector<1x16xf32>
    tpu.vector_store %arg7[%swap3A_370, %swap3A_371], %swap3A_374 {strides = array<i32>} : memref<2x256xf32, #tpu.memory_space<vmem>>, vector<1x16xf32>,
    %mul3A_375 = arith.mulf %while3A_360#1, %div3A_367 : vector<16xf32>
    %swap3A_376 = arith.constant 1 : i32
    %swap3A_377 = arith.index_cast %swap3A_376 : i32 to index
    %swap3A_378 = arith.constant 16 : index
    %swap3A_379 = tpu.vector_load %arg7[%swap3A_377, %swap3A_378] {strides = array<i32>} : memref<2x256xf32, #tpu.memory_space<vmem>>, vector<1x16xf32>,
    %swap3A_380 = vector.shape_cast %swap3A_379 : vector<1x16xf32> to vector<16xf32>
    %swap3A_381 = vector.shape_cast %mul3A_375 : vector<16xf32> to vector<1x16xf32>
    tpu.vector_store %arg7[%swap3A_377, %swap3A_378], %swap3A_381 {strides = array<i32>} : memref<2x256xf32, #tpu.memory_space<vmem>>, vector<1x16xf32>,
    %mul3A_382 = arith.mulf %while3A_360#2, %div3A_367 : vector<16xf32>
    %swap3A_383 = arith.constant 1 : i32
    %swap3A_384 = arith.index_cast %swap3A_383 : i32 to index
    %swap3A_385 = arith.constant 32 : index
    %swap3A_386 = tpu.vector_load %arg7[%swap3A_384, %swap3A_385] {strides = array<i32>} : memref<2x256xf32, #tpu.memory_space<vmem>>, vector<1x16xf32>,
    %swap3A_387 = vector.shape_cast %swap3A_386 : vector<1x16xf32> to vector<16xf32>
    %swap3A_388 = vector.shape_cast %mul3A_382 : vector<16xf32> to vector<1x16xf32>
    tpu.vector_store %arg7[%swap3A_384, %swap3A_385], %swap3A_388 {strides = array<i32>} : memref<2x256xf32, #tpu.memory_space<vmem>>, vector<1x16xf32>,
    %mul3A_389 = arith.mulf %while3A_360#3, %div3A_367 : vector<16xf32>
    %swap3A_390 = arith.constant 1 : i32
    %swap3A_391 = arith.index_cast %swap3A_390 : i32 to index
    %swap3A_392 = arith.constant 48 : index
    %swap3A_393 = tpu.vector_load %arg7[%swap3A_391, %swap3A_392] {strides = array<i32>} : memref<2x256xf32, #tpu.memory_space<vmem>>, vector<1x16xf32>,
    %swap3A_394 = vector.shape_cast %swap3A_393 : vector<1x16xf32> to vector<16xf32>
    %swap3A_395 = vector.shape_cast %mul3A_389 : vector<16xf32> to vector<1x16xf32>
    tpu.vector_store %arg7[%swap3A_391, %swap3A_392], %swap3A_395 {strides = array<i32>} : memref<2x256xf32, #tpu.memory_space<vmem>>, vector<1x16xf32>,
    %mul3A_396 = arith.mulf %while3A_360#4, %div3A_367 : vector<16xf32>
    %swap3A_397 = arith.constant 1 : i32
    %swap3A_398 = arith.index_cast %swap3A_397 : i32 to index
    %swap3A_399 = arith.constant 64 : index
    %swap3A_400 = tpu.vector_load %arg7[%swap3A_398, %swap3A_399] {strides = array<i32>} : memref<2x256xf32, #tpu.memory_space<vmem>>, vector<1x16xf32>,
    %swap3A_401 = vector.shape_cast %swap3A_400 : vector<1x16xf32> to vector<16xf32>
    %swap3A_402 = vector.shape_cast %mul3A_396 : vector<16xf32> to vector<1x16xf32>
    tpu.vector_store %arg7[%swap3A_398, %swap3A_399], %swap3A_402 {strides = array<i32>} : memref<2x256xf32, #tpu.memory_space<vmem>>, vector<1x16xf32>,
    %mul3A_403 = arith.mulf %while3A_360#5, %div3A_367 : vector<16xf32>
    %swap3A_404 = arith.constant 1 : i32
    %swap3A_405 = arith.index_cast %swap3A_404 : i32 to index
    %swap3A_406 = arith.constant 80 : index
    %swap3A_407 = tpu.vector_load %arg7[%swap3A_405, %swap3A_406] {strides = array<i32>} : memref<2x256xf32, #tpu.memory_space<vmem>>, vector<1x16xf32>,
    %swap3A_408 = vector.shape_cast %swap3A_407 : vector<1x16xf32> to vector<16xf32>
    %swap3A_409 = vector.shape_cast %mul3A_403 : vector<16xf32> to vector<1x16xf32>
    tpu.vector_store %arg7[%swap3A_405, %swap3A_406], %swap3A_409 {strides = array<i32>} : memref<2x256xf32, #tpu.memory_space<vmem>>, vector<1x16xf32>,
    %mul3A_410 = arith.mulf %while3A_360#6, %div3A_367 : vector<16xf32>
    %swap3A_411 = arith.constant 1 : i32
    %swap3A_412 = arith.index_cast %swap3A_411 : i32 to index
    %swap3A_413 = arith.constant 96 : index
    %swap3A_414 = tpu.vector_load %arg7[%swap3A_412, %swap3A_413] {strides = array<i32>} : memref<2x256xf32, #tpu.memory_space<vmem>>, vector<1x16xf32>,
    %swap3A_415 = vector.shape_cast %swap3A_414 : vector<1x16xf32> to vector<16xf32>
    %swap3A_416 = vector.shape_cast %mul3A_410 : vector<16xf32> to vector<1x16xf32>
    tpu.vector_store %arg7[%swap3A_412, %swap3A_413], %swap3A_416 {strides = array<i32>} : memref<2x256xf32, #tpu.memory_space<vmem>>, vector<1x16xf32>,
    %mul3A_417 = arith.mulf %while3A_360#7, %div3A_367 : vector<16xf32>
    %swap3A_418 = arith.constant 1 : i32
    %swap3A_419 = arith.index_cast %swap3A_418 : i32 to index
    %swap3A_420 = arith.constant 112 : index
    %swap3A_421 = tpu.vector_load %arg7[%swap3A_419, %swap3A_420] {strides = array<i32>} : memref<2x256xf32, #tpu.memory_space<vmem>>, vector<1x16xf32>,
    %swap3A_422 = vector.shape_cast %swap3A_421 : vector<1x16xf32> to vector<16xf32>
    %swap3A_423 = vector.shape_cast %mul3A_417 : vector<16xf32> to vector<1x16xf32>
    tpu.vector_store %arg7[%swap3A_419, %swap3A_420], %swap3A_423 {strides = array<i32>} : memref<2x256xf32, #tpu.memory_space<vmem>>, vector<1x16xf32>,
    %mul3A_424 = arith.mulf %while3A_360#8, %div3A_367 : vector<16xf32>
    %swap3A_425 = arith.constant 1 : i32
    %swap3A_426 = arith.index_cast %swap3A_425 : i32 to index
    %swap3A_427 = arith.constant 128 : index
    %swap3A_428 = tpu.vector_load %arg7[%swap3A_426, %swap3A_427] {strides = array<i32>} : memref<2x256xf32, #tpu.memory_space<vmem>>, vector<1x16xf32>,
    %swap3A_429 = vector.shape_cast %swap3A_428 : vector<1x16xf32> to vector<16xf32>
    %swap3A_430 = vector.shape_cast %mul3A_424 : vector<16xf32> to vector<1x16xf32>
    tpu.vector_store %arg7[%swap3A_426, %swap3A_427], %swap3A_430 {strides = array<i32>} : memref<2x256xf32, #tpu.memory_space<vmem>>, vector<1x16xf32>,
    %mul3A_431 = arith.mulf %while3A_360#9, %div3A_367 : vector<16xf32>
    %swap3A_432 = arith.constant 1 : i32
    %swap3A_433 = arith.index_cast %swap3A_432 : i32 to index
    %swap3A_434 = arith.constant 144 : index
    %swap3A_435 = tpu.vector_load %arg7[%swap3A_433, %swap3A_434] {strides = array<i32>} : memref<2x256xf32, #tpu.memory_space<vmem>>, vector<1x16xf32>,
    %swap3A_436 = vector.shape_cast %swap3A_435 : vector<1x16xf32> to vector<16xf32>
    %swap3A_437 = vector.shape_cast %mul3A_431 : vector<16xf32> to vector<1x16xf32>
    tpu.vector_store %arg7[%swap3A_433, %swap3A_434], %swap3A_437 {strides = array<i32>} : memref<2x256xf32, #tpu.memory_space<vmem>>, vector<1x16xf32>,
    %mul3A_438 = arith.mulf %while3A_360#10, %div3A_367 : vector<16xf32>
    %swap3A_439 = arith.constant 1 : i32
    %swap3A_440 = arith.index_cast %swap3A_439 : i32 to index
    %swap3A_441 = arith.constant 160 : index
    %swap3A_442 = tpu.vector_load %arg7[%swap3A_440, %swap3A_441] {strides = array<i32>} : memref<2x256xf32, #tpu.memory_space<vmem>>, vector<1x16xf32>,
    %swap3A_443 = vector.shape_cast %swap3A_442 : vector<1x16xf32> to vector<16xf32>
    %swap3A_444 = vector.shape_cast %mul3A_438 : vector<16xf32> to vector<1x16xf32>
    tpu.vector_store %arg7[%swap3A_440, %swap3A_441], %swap3A_444 {strides = array<i32>} : memref<2x256xf32, #tpu.memory_space<vmem>>, vector<1x16xf32>,
    %mul3A_445 = arith.mulf %while3A_360#11, %div3A_367 : vector<16xf32>
    %swap3A_446 = arith.constant 1 : i32
    %swap3A_447 = arith.index_cast %swap3A_446 : i32 to index
    %swap3A_448 = arith.constant 176 : index
    %swap3A_449 = tpu.vector_load %arg7[%swap3A_447, %swap3A_448] {strides = array<i32>} : memref<2x256xf32, #tpu.memory_space<vmem>>, vector<1x16xf32>,
    %swap3A_450 = vector.shape_cast %swap3A_449 : vector<1x16xf32> to vector<16xf32>
    %swap3A_451 = vector.shape_cast %mul3A_445 : vector<16xf32> to vector<1x16xf32>
    tpu.vector_store %arg7[%swap3A_447, %swap3A_448], %swap3A_451 {strides = array<i32>} : memref<2x256xf32, #tpu.memory_space<vmem>>, vector<1x16xf32>,
    %mul3A_452 = arith.mulf %while3A_360#12, %div3A_367 : vector<16xf32>
    %swap3A_453 = arith.constant 1 : i32
    %swap3A_454 = arith.index_cast %swap3A_453 : i32 to index
    %swap3A_455 = arith.constant 192 : index
    %swap3A_456 = tpu.vector_load %arg7[%swap3A_454, %swap3A_455] {strides = array<i32>} : memref<2x256xf32, #tpu.memory_space<vmem>>, vector<1x16xf32>,
    %swap3A_457 = vector.shape_cast %swap3A_456 : vector<1x16xf32> to vector<16xf32>
    %swap3A_458 = vector.shape_cast %mul3A_452 : vector<16xf32> to vector<1x16xf32>
    tpu.vector_store %arg7[%swap3A_454, %swap3A_455], %swap3A_458 {strides = array<i32>} : memref<2x256xf32, #tpu.memory_space<vmem>>, vector<1x16xf32>,
    %mul3A_459 = arith.mulf %while3A_360#13, %div3A_367 : vector<16xf32>
    %swap3A_460 = arith.constant 1 : i32
    %swap3A_461 = arith.index_cast %swap3A_460 : i32 to index
    %swap3A_462 = arith.constant 208 : index
    %swap3A_463 = tpu.vector_load %arg7[%swap3A_461, %swap3A_462] {strides = array<i32>} : memref<2x256xf32, #tpu.memory_space<vmem>>, vector<1x16xf32>,
    %swap3A_464 = vector.shape_cast %swap3A_463 : vector<1x16xf32> to vector<16xf32>
    %swap3A_465 = vector.shape_cast %mul3A_459 : vector<16xf32> to vector<1x16xf32>
    tpu.vector_store %arg7[%swap3A_461, %swap3A_462], %swap3A_465 {strides = array<i32>} : memref<2x256xf32, #tpu.memory_space<vmem>>, vector<1x16xf32>,
    %mul3A_466 = arith.mulf %while3A_360#14, %div3A_367 : vector<16xf32>
    %swap3A_467 = arith.constant 1 : i32
    %swap3A_468 = arith.index_cast %swap3A_467 : i32 to index
    %swap3A_469 = arith.constant 224 : index
    %swap3A_470 = tpu.vector_load %arg7[%swap3A_468, %swap3A_469] {strides = array<i32>} : memref<2x256xf32, #tpu.memory_space<vmem>>, vector<1x16xf32>,
    %swap3A_471 = vector.shape_cast %swap3A_470 : vector<1x16xf32> to vector<16xf32>
    %swap3A_472 = vector.shape_cast %mul3A_466 : vector<16xf32> to vector<1x16xf32>
    tpu.vector_store %arg7[%swap3A_468, %swap3A_469], %swap3A_472 {strides = array<i32>} : memref<2x256xf32, #tpu.memory_space<vmem>>, vector<1x16xf32>,
    %mul3A_473 = arith.mulf %while3A_360#15, %div3A_367 : vector<16xf32>
    %swap3A_474 = arith.constant 1 : i32
    %swap3A_475 = arith.index_cast %swap3A_474 : i32 to index
    %swap3A_476 = arith.constant 240 : index
    %swap3A_477 = tpu.vector_load %arg7[%swap3A_475, %swap3A_476] {strides = array<i32>} : memref<2x256xf32, #tpu.memory_space<vmem>>, vector<1x16xf32>,
    %swap3A_478 = vector.shape_cast %swap3A_477 : vector<1x16xf32> to vector<16xf32>
    %swap3A_479 = vector.shape_cast %mul3A_473 : vector<16xf32> to vector<1x16xf32>
    tpu.vector_store %arg7[%swap3A_475, %swap3A_476], %swap3A_479 {strides = array<i32>} : memref<2x256xf32, #tpu.memory_space<vmem>>, vector<1x16xf32>,
    "tpu.region"() ({
      %run_scoped3A = tpu.sem_alloc : memref<!tpu.dma_semaphore, #tpu.memory_space<semaphore_mem>>
      %dma_start3A = arith.constant 0 : i32
      %dma_start3A_480 = tpu.memref_slice %arg4[%mul3A_2, %dma_start3A] : memref<64x256xf32, #tpu.memory_space<hbm>> -> memref<2x256xf32, #tpu.memory_space<hbm>>
      %dma_start3A_481 = arith.constant 0 : i32
      %dma_start3A_482 = tpu.memref_slice %arg4[%mul3A_2, %dma_start3A_481] : memref<64x256xf32, #tpu.memory_space<hbm>> -> memref<2x256xf32, #tpu.memory_space<hbm>>
      tpu.enqueue_dma source(%arg7 : memref<2x256xf32, #tpu.memory_space<vmem>>) target(%dma_start3A_482 : memref<2x256xf32, #tpu.memory_space<hbm>>) target_semaphore(%run_scoped3A : memref<!tpu.dma_semaphore, #tpu.memory_space<semaphore_mem>>)
      %dma_wait3A = arith.constant 0 : i32
      %dma_wait3A_483 = tpu.memref_slice %arg4[%mul3A_2, %dma_wait3A] : memref<64x256xf32, #tpu.memory_space<hbm>> -> memref<2x256xf32, #tpu.memory_space<hbm>>
      %dma_wait3A_484 = arith.constant 0 : i32
      %dma_wait3A_485 = tpu.memref_slice %arg4[%mul3A_2, %dma_wait3A_484] : memref<64x256xf32, #tpu.memory_space<hbm>> -> memref<2x256xf32, #tpu.memory_space<hbm>>
      tpu.wait_dma2 semaphore(%run_scoped3A : memref<!tpu.dma_semaphore, #tpu.memory_space<semaphore_mem>>) src(%arg7 : memref<2x256xf32, #tpu.memory_space<vmem>>) dst(%dma_wait3A_485 : memref<2x256xf32, #tpu.memory_space<hbm>>)
      tpu.yield
    }) : () -> ()
    return
  }
}

</mosaic_0001>

<sc_bundles>
// kernel: kernel.3.cloned.1.call-start
scs
__scs_entry_jumppad:
0x0: {  	(pc) =	sbr.rel $0x88, $3  }
0x1: {  	(tag) =	ssettag $0x0;
	lr =	simm.s32 $0x1  }
0x2: {  	[smem:$0x3F9F] =	sst lr;
	_ =	strace $0xD0000000  }
0x3: {  	_ = 	snop  }
0x4: {  	_ = 	snop  }
0x5: {  	_ = 	snop  }
0x6: {  	_ = 	snop  }
0x7: {  	_ = 	snop  }
__scs_overlays_trampoline_lowered:
0x8: {  	[smem:$0x3FAE] =	sst s0  }
0x9: {  	[smem:$0x3FAF] =	sst s1  }
0xa: {  	[smem:$0x3FB0] =	sst s2  }
0xb: {  	[smem:$0x3FB1] =	sst s3  }
0xc: {  	[smem:$0x3FB2] =	sst s4  }
0xd: {  	[smem:$0x3FB3] =	sst s5  }
0xe: {  	[smem:$0x3FB4] =	sst s6  }
0xf: {  	[smem:$0x3FB5] =	sst s7  }
0x10: {  	[smem:$0x3FB6] =	sst s8  }
0x11: {  	[smem:$0x3FB7] =	sst s9;
	s0 =	simm.s32 @!p0 $0x0  }
0x12: {  	s1 =	sld [smem:$0x3F9D];
	s0 =	simm.s32 @p0 $0x1  }
0x13: {  	[smem:$0x3FB8] =	sst s0;
	s0 =	simm.s32 @!p1 $0x0  }
0x14: {  	s2 =	sld [smem:$0x3F9C];
	s0 =	simm.s32 @p1 $0x1  }
0x15: {  	[smem:$0x3FB9] =	sst s0;
	s0 =	simm.s32 @!p2 $0x0  }
0x16: {  	s3 =	sld [smem:$0x3FDB];
	s0 =	simm.s32 @p2 $0x1  }
0x17: {  	s4 =	simm.s32 $0x1BF5;
	[smem:$0x3FBB] =	sst s0  }
0x18: {  	s0 =	sld [smem:$0x3F9E];
	_ =	swait.ge [sflag:s4], $0x0  }
0x19: {  	s7 =	sld [smem:$0x3F9F]  }
0x1a: {  	s8 =	sadd.s32 $0xFFFFE003, lr  }
0x1b: {  	s9 =	sadd.s32 $0xFFFFFEF7, lr;
	s5 =	simm.s32 $0xFFFFFFFF;
	p2 =	slt.u32 s8, $0xFFFFF086  }
0x1c: {  	p1 =	slt.u32 s9, $0xF7A;
	s5 =	simm.s32 @!p2 $0x0  }
0x1d: {  	s5 =	simm.s32 @p1 $0x1;
	p0 =	seq.s32 s7, s2  }
0x1e: {  	s7 =	smul.u32 @!p0 $0xF7A, s2;
	p2 =	seq.s32 @!p0 s5, $0x0  }
0x1f: {  	s9 =	smul.u32 $0xF7A, s1;
	s8 =	simm.s32 @!p0 $0x1BF5;
	p2 =	por !p2, p0  }
0x20: {  	[sflag:s8] =	ssyncset.s32 @!p0 $0xFFFFF086;
	s6 =	sadd.s32 @!p0 s3, s7;
	s7 =	simm.s32 @!p0 $0x108  }
0x21: {  	s3 =	sadd.s32 s3, s9;
	s6 =	sadd.s32 @!p0 $0x88, s6;
	s7 =	simm.s32 @p2 $0x1082  }
0x22: {  	[simem:s7], [sflag:s8] =	dma.local @!p0 [hbm:s6], $0xF7A  }
0x23: {  	s9 =	sor.u32 $0xD0000000, s2;
	s6 =	simm.s32 $0x108;
	_ =	swait.ge @!p0 [sflag:s8], $0x0  }
0x24: {  	s3 =	sadd.s32 $0x88, s3;
	s6 =	simm.s32 @!p1 $0x1082;
	[sflag:s4] =	ssyncset.s32 $0xFFFFF086  }
0x25: {  	[simem:s6], [sflag:s4] =	dma.local [hbm:s3], $0xF7A  }
0x26: {  	[smem:$0x3F9F] =	sst s1;
	(tag) =	ssettag s2;
	_ =	strace s9  }
0x27: {  	s1 =	sld [smem:$0x3FAF]  }
0x28: {  	s2 =	sld [smem:$0x3FB0]  }
0x29: {  	s4 =	sld [smem:$0x3FB2]  }
0x2a: {  	p0 =	seq.s32 s5, $0x0;
	s5 =	sld [smem:$0x3FB3]  }
0x2b: {  	s6 =	sld [smem:$0x3FB4]  }
0x2c: {  	s7 =	sld [smem:$0x3FB5]  }
0x2d: {  	s3 =	simm.s32 $0x108;
	s8 =	sld [smem:$0x3FB6]  }
0x2e: {  	s3 =	simm.s32 @!p0 $0x1082;
	s9 =	sld [smem:$0x3FB7]  }
0x2f: {  	lr =	sadd.s32 s0, s3;
	s0 =	sld [smem:$0x3FAE]  }
0x30: {  	s3 =	sld [smem:$0x3FB1]  }
0x31: {  	[smem:$0x3FBA] =	sst s10  }
0x32: {  	s10 =	sld [smem:$0x3FB8];
	_ =	sdelay $0x3  }
0x33: {  	p0 =	seq.s32 s10, $0x1;
	s10 =	sld [smem:$0x3FBA];
	_ =	sdelay $0x3  }
0x34: {  	[smem:$0x3FBA] =	sst s10  }
0x35: {  	s10 =	sld [smem:$0x3FB9];
	_ =	sdelay $0x3  }
0x36: {  	p1 =	seq.s32 s10, $0x1;
	s10 =	sld [smem:$0x3FBA];
	_ =	sdelay $0x3  }
0x37: {  	[smem:$0x3FBA] =	sst s10  }
0x38: {  	s10 =	sld [smem:$0x3FBB]  }
0x39: {  	_ = 	snop;
	(pc) =	sbr.ind lr, $3  }
0x3a: {  	_ = 	snop  }
0x3b: {  	_ = 	snop  }
0x3c: {  	p2 =	seq.s32 s10, $0x1;
	s10 =	sld [smem:$0x3FBA]  }
0x3d: {  	_ =	shalt  }
0x3e: {  	_ =	shalt  }
0x3f: {  	_ =	shalt  }
0x40: {  	_ =	shalt  }
0x41: {  	_ =	shalt  }
0x42: {  	_ =	shalt  }
0x43: {  	_ =	shalt  }
0x44: {  	_ =	shalt  }
0x45: {  	_ =	shalt  }
0x46: {  	_ =	shalt  }
0x47: {  	_ =	shalt  }
0x48: {  	_ =	shalt  }
0x49: {  	_ =	shalt  }
0x4a: {  	_ =	shalt  }
0x4b: {  	_ =	shalt  }
0x4c: {  	_ =	shalt  }
0x4d: {  	_ =	shalt  }
0x4e: {  	_ =	shalt  }
0x4f: {  	_ =	shalt  }
0x50: {  	_ =	shalt  }
0x51: {  	_ =	shalt  }
0x52: {  	_ =	shalt  }
0x53: {  	_ =	shalt  }
0x54: {  	_ =	shalt  }
0x55: {  	_ =	shalt  }
0x56: {  	_ =	shalt  }
0x57: {  	_ =	shalt  }
0x58: {  	_ =	shalt  }
0x59: {  	_ =	shalt  }
0x5a: {  	_ =	shalt  }
0x5b: {  	_ =	shalt  }
0x5c: {  	_ =	shalt  }
0x5d: {  	_ =	shalt  }
0x5e: {  	_ =	shalt  }
0x5f: {  	_ =	shalt  }
0x60: {  	_ =	shalt  }
0x61: {  	_ =	shalt  }
0x62: {  	_ =	shalt  }
0x63: {  	_ =	shalt  }
0x64: {  	_ =	shalt  }
0x65: {  	_ =	shalt  }
0x66: {  	_ =	shalt  }
0x67: {  	_ =	shalt  }
0x68: {  	_ =	shalt  }
0x69: {  	_ =	shalt  }
0x6a: {  	_ =	shalt  }
0x6b: {  	_ =	shalt  }
0x6c: {  	_ =	shalt  }
0x6d: {  	_ =	shalt  }
0x6e: {  	_ =	shalt  }
0x6f: {  	_ =	shalt  }
0x70: {  	_ =	shalt  }
0x71: {  	_ =	shalt  }
0x72: {  	_ =	shalt  }
0x73: {  	_ =	shalt  }
0x74: {  	_ =	shalt  }
0x75: {  	_ =	shalt  }
0x76: {  	_ =	shalt  }
0x77: {  	_ =	shalt  }
0x78: {  	_ =	shalt  }
0x79: {  	_ =	shalt  }
0x7a: {  	_ =	shalt  }
0x7b: {  	_ =	shalt  }
0x7c: {  	_ =	shalt  }
0x7d: {  	_ =	shalt  }
0x7e: {  	_ =	shalt  }
0x7f: {  	_ =	shalt  }
0x80: {  	_ =	shalt  }
0x81: {  	_ =	shalt  }
0x82: {  	_ =	shalt  }
0x83: {  	_ =	shalt  }
0x84: {  	_ =	shalt  }
0x85: {  	_ =	shalt  }
0x86: {  	_ =	shalt  }
0x87: {  	_ =	shalt  }
.Lfunc_end0:
.L_simem_size_0:
called_computation_lowered:
.L_overlay_start_0:
0x88: {  	s2 =	sld [smem:$0x3FD9]  }
0x89: {  	s3 =	sld [smem:$0x3FFE];
	_ =	sdelay $0x1  }
0x8a: {  	s1 =	srdreg.scid  }
0x8b: {  	s0 =	sand.u32 $0x1, s1  }
0x8c: {  	s18 =	sshll.u32 s0, $0xA;
	s2 =	sadd.s32 s3, s2  }
0x8d: {  	s2 =	sadd.s32 s2, s18  }
0x8e: {  	[smem:$0x3FC6] =	sst s2  }
0x8f: {  	_ = 	snop  }
0x90: {  	s2 =	sld [smem:$0x3FC9]  }
0x91: {  	s19 =	sld [smem:$0x3FC8]  }
0x92: {  	s4 =	sld [smem:$0x3FD0];
	(tm) =	ssettm $0x1  }
0x93: {  	s5 =	sld [smem:$0x3FFB];
	_ =	sdelay $0x3  }
0x94: {  	_ =	strace s5  }
0x95: {  	s5 =	sld [smem:$0x3FFC];
	_ =	sdelay $0x3  }
0x96: {  	_ =	strace s5  }
0x97: {  	s5 =	sld [smem:$0x3FFD];
	_ =	sdelay $0x3  }
0x98: {  	_ =	strace s5  }
0x99: {  	_ =	strace $0x8FFFFFFF  }
0x9a: {  	s20 =	sld [smem:$0x3FDB];
	_ =	sdelay $0x1  }
0x9b: {  	s6 =	simm.s32 $_scs_section_size  }
0x9c: {  	s7 =	simm.s32 $_size__tile_overlayer_lowered;
	s8 =	simm.s32 $_tile_overlayer_lowered  }
0x9d: {  	s23 =	simm.s32 $0x1BFF;
	s22 =	sshll.u32 s8, $0x1;
	s5 =	sadd.s32 s6, s20  }
0x9e: {  	s9 =	simm.s32 $0x0;
	s21 =	sshll.u32 s7, $0x1;
	s7 =	sadd.s32 s22, s5  }
0x9f: {  	[timem:s9], [sflag:s23] =	dma.local [hbm:s7], s21  }
0xa0: {  	_ =	swait.ge [sflag:s23], s21  }
0xa1: {  	s6 =	ssub.s32 $0x0, s21;
	[sflag:s23] =	ssyncset.done $0x0  }
0xa2: {  	[sflag:s23] =	ssyncadd.s32 s6;
	_ =	sdelay $0x1  }
0xa3: {  	s24 =	simm.s32 $0x1B8B  }
0xa4: {  	_ =	swait.ge [sflag:s24], $0x1  }
0xa5: {  	[sflag:s24] =	ssyncset.done $0x0  }
0xa6: {  	s25 =	simm.s32 $0x1B8E;
	[sflag:s24] =	ssyncadd.s32 $0xFFFFFFFF  }
0xa7: {  	s26 =	simm.s32 $execute0_lowered;
	[smem:$0x3FD2] =	sst s25  }
0xa8: {  	s6 =	sshll.u32 s26, $0x1;
	_ =	strace $0x80000046;
	[dreg:$0x1] =	wrdreg $0xFFFFFFFF  }
0xa9: {  	s28 =	simm.s32 $_size_execute0_lowered;
	s5 =	sadd.s32 s5, s6;
	[dreg:$0x0] =	wrdreg $0x0  }
0xaa: {  	s6 =	sshll.u32 s28, $0x1;
	[dreg:$0x2] =	wrdreg s5  }
0xab: {  	[dreg:$0x3] =	wrdreg s6  }
0xac: {  	[dreg:$0x4] =	wrdreg $0xC0  }
0xad: {  	_ =	task [dreg:s9], $0x5FFFF  }
0xae: {  	[dreg:$0x1] =	wrdreg $0xFFFFFFFF  }
0xaf: {  	[dreg:$0x0] =	wrdreg $0x60  }
0xb0: {  	[dreg:$0x2] =	wrdreg s2  }
0xb1: {  	[dreg:$0x3] =	wrdreg s19  }
0xb2: {  	[dreg:$0x4] =	wrdreg s4  }
0xb3: {  	[dreg:$0x5] =	wrdreg $0x9  }
0xb4: {  	_ =	task.clear_ibuf [dreg:s9], $0x6FFFF;
	_ =	strace $0x90000046  }
0xb5: {  	s29 =	simm.s32 $0x9;
	_ =	strace $0x80000048  }
0xb6: {  	_ =	swait.ge [sflag:s29], $0x1  }
0xb7: {  	[sflag:s29] =	ssyncadd.s32 $0xFFFFFFFF  }
0xb8: {  	_ =	strace $0x90000048  }
0xb9: {  	_ =	sfence  }
0xba: {  	s30 =	sld [smem:$0x0];
	_ =	sdelay $0x2  }
0xbb: {  	s31 =	sshll.u32 s1, $0xD;
	s1 =	sshrl.u32 s1, $0x2  }
0xbc: {  	s3 =	sand.u32 $0x4000, s31;
	s1 =	sadd.s32 s1, s30  }
0xbd: {  	s0 =	sor.u32 s3, s0;
	s1 =	sshll.u32 s1, $0x11  }
0xbe: {  	s0 =	sor.u32 s1, s0  }
0xbf: {  	s0 =	sadd.s32 $0x8F2B, s0  }
0xc0: {  	[sflag:s0] =	ssyncadd.remote.s32 $0x1  }
0xc1: {  	_ =	sfence.sel $0xFFFF  }
0xc2: {  	[dreg:$0x0] =	wrdreg $0xFFFFFFFF;
	(pc) =	sbr.abs _section_cstart, $3  }
0xc3: {  	[dreg:$0x1] =	wrdreg $0xFFFFFFFF  }
0xc4: {  	_ =	task.clear_ibuf [dreg:s9], $0x2FFFF;
	_ =	strace $0x9FFFFFFF  }
0xc5: {  	(tm) =	ssettm $0x7FFFFFFF  }
tec
execute0_lowered:
.L_overlay_start_1:
0x0: {  	(tag) =	ssettag $0x1  }
0x1: {  	s1 =	rddreg [dreg:$0x0]  }
0x2: {  	s0 =	rddreg [dreg:$0x2];
	s3 =	simm.s32 $0x0;
	s2 =	srdreg.scid  }
0x3: {  	s5 =	stileid.u32;
	[smem:$0x7FF] =	sst s3;
	s2 =	sand.u32 $0x1, s2  }
0x4: {  	s24 =	sshll.u32 s5, $0x2;
	s25 =	sshll.u32 s5, $0x7;
	s4 =	sshll.u32 s2, $0x1  }
0x5: {  	_ =	strace $0x80000047;
	s2 =	ssub.s32 $0x2, s2;
	s3 =	sor.u32 s4, s24  }
.Ltmp0:
0x6: {  	s26 =	sshrl.u32 s2, $0x1;
	s4 =	sand.u32 $0x700, s25;
	(pc) =	sbr.rel .LBB2_1-.Ltmp0, $4  }
0x7: {  	s6 =	sshll.u32 s3, $0x4;
	s2 =	ssub.s32 s2, s26;
	s0 =	sadd.s32 s0, s4  }
0x8: {  	s29 =	sor.u32 $0x1, s3;
	s28 =	sand.u32 $0x60, s6;
	s31 =	smax.u32 s2, $0x1  }
0x9: {  	v3 =	vimm.s32 $0x0;
	s30 =	sadd.s32 $0x2, s3;
	s0 =	sadd.s32 s28, s0;
	[dreg:$0x5] =	wrdreg s31  }
0xa: {  	s11 =	simm.s32 $0x0;
	v0 =	vmov s3;
	s3 =	simm.s32 $0x3;
	v1 =	vmov s29;
	v2 =	vmov s30;
	[dreg:$0x4] =	wrdreg s0  }
.LBB2_17:
0xb: {  	p0 =	sgt.s32 s15, $0x1  }
0xc: {  	s15 =	simm.s32 @!p0 $0x1  }
0xd: {  	v20 =	vmov s15  }
0xe: {  	v20 =	vcvt.s32.f32 v20;
	_ =	sdelay $0x1  }
0xf: {  	v20 =	vbroadcast v20, $0x0;
	_ =	sdelay $0x1  }
0x10: {  	(erf) = vrcp.f32 v20;
	_ =	sdelay $0x8  }
0x11: {  	v20 =	vpop (erf)  }
0x12: {  	v4 =	vmul.f32 v4, v20  }
0x13: {  	v19 =	vmul.f32 v19, v20  }
0x14: {  	v16 =	vmul.f32 v16, v20;
	[tilespmem:$0xC800] =	vst v4  }
0x15: {  	v4 =	vmul.f32 v18, v20;
	[tilespmem:$0xC810] =	vst v19  }
0x16: {  	v15 =	vmul.f32 v15, v20;
	[tilespmem:$0xC830] =	vst v16  }
0x17: {  	[tilespmem:$0xC820] =	vst v4;
	v4 =	vmul.f32 v17, v20  }
0x18: {  	v13 =	vmul.f32 v13, v20;
	[tilespmem:$0xC850] =	vst v15  }
0x19: {  	[tilespmem:$0xC840] =	vst v4;
	v4 =	vmul.f32 v14, v20  }
0x1a: {  	v11 =	vmul.f32 v11, v20;
	[tilespmem:$0xC870] =	vst v13  }
0x1b: {  	[tilespmem:$0xC860] =	vst v4;
	v4 =	vmul.f32 v12, v20  }
0x1c: {  	v9 =	vmul.f32 v9, v20;
	[tilespmem:$0xC910] =	vst v11  }
0x1d: {  	[tilespmem:$0xC900] =	vst v4;
	v4 =	vmul.f32 v10, v20  }
0x1e: {  	v7 =	vmul.f32 v7, v20;
	[tilespmem:$0xC930] =	vst v9  }
0x1f: {  	[tilespmem:$0xC920] =	vst v4;
	v4 =	vmul.f32 v8, v20  }
0x20: {  	v5 =	vmul.f32 v5, v20;
	[tilespmem:$0xC950] =	vst v7  }
0x21: {  	[tilespmem:$0xC940] =	vst v4;
	v4 =	vmul.f32 v6, v20  }
0x22: {  	s0 =	rddreg [dreg:$0x4];
	[tilespmem:$0xC970] =	vst v5  }
0x23: {  	s2 =	simm.s32 $0x100;
	s3 =	simm.s32 $0x400;
	s4 =	simm.s32 $0xC780;
	[tilespmem:$0xC960] =	vst v4  }
0x24: {  	[hbm4b:s0+s2] =	stream.strided.scatter [tilespmem:s4], [sflag:$0x3], $0x200, s3, s2, $0x38;
	[tilespmem:$0xC980] =	vst v63  }
0x25: {  	s3 =	simm.s32 $0x3  }
0x26: {  	_ =	swait.ge [sflag:s3], $0x200  }
0x27: {  	s11 =	sadd.s32 $0x1, s11;
	s31 =	rddreg [dreg:$0x5]  }
0x28: {  	p0 =	sne.s32 s11, s31  }
.Ltmp1:
0x29: {  	_ = 	snop;
	(pc) =	sbr.rel @!p0 .LBB2_18-.Ltmp1, $3  }
0x2a: {  	_ =	sdelay $0x1  }
0x2b: {  	[sflag:s3] =	ssyncset.done $0x0  }
0x2c: {  	[sflag:s3] =	ssyncadd.s32 $0xFFFFFE00  }
.LBB2_1:
0x2d: {  	s0 =	rddreg [dreg:$0x1];
	s2 =	simm.s32 $0x0  }
0x2e: {  	[tilespmem:s2], [sflag:$0x3] =	stream.linear.gather [hbm4b:s0+s2], $0x2780, $0x38;
	[tilespmem:$0xC980] =	vst v63  }
0x2f: {  	_ =	swait.ge [sflag:s3], $0x2780  }
0x30: {  	[sflag:s3] =	ssyncset.done $0x0  }
0x31: {  	s31 =	simm.s32 $0x0;
	[sflag:s3] =	ssyncadd.s32 $0xFFFFD880  }
0x32: {  	v4 =	vld [tilespmem:s31+$0x40]  }
0x33: {  	v5 =	vld [tilespmem:s31+$0x30]  }
0x34: {  	v6 =	vld [tilespmem:s31+$0x20]  }
0x35: {  	v7 =	vld [tilespmem:s31+$0x10]  }
0x36: {  	v8 =	vld [tilespmem:s31+$0x0]  }
0x37: {  	v9 =	vsub.s32 v0, v4;
	v16 =	vsub.s32 v1, v4;
	v4 =	vsub.s32 v2, v4  }
0x38: {  	v17 =	vsub.s32 v0, v5;
	v18 =	vsub.s32 v1, v5;
	v19 =	vsub.s32 v2, v5  }
0x39: {  	v13 =	vsub.s32 v0, v6;
	v10 =	vsub.s32 v1, v6;
	v6 =	vsub.s32 v2, v6  }
0x3a: {  	v14 =	vsub.s32 v0, v7;
	v11 =	vsub.s32 v1, v7;
	v5 =	vsub.s32 v2, v7  }
0x3b: {  	v15 =	vsub.s32 v0, v8;
	v12 =	vsub.s32 v1, v8;
	v8 =	vsub.s32 v2, v8  }
0x3c: {  	v7 =	vimm.s32 $0x0;
	vm4 =	vgt.s32 v9, $0x0;
	vm2 =	vgt.s32 v16, $0x0  }
0x3d: {  	vm0 =	vgt.s32 v4, $0x0;
	vm5 =	vgt.s32 v17, $0x0;
	vm3 =	vgt.s32 v18, $0x0  }
0x3e: {  	s0 =	simm.s32 $0x140;
	vm1 =	vgt.s32 v19, $0x0;
	v9 =	vimm.s32 $0x0;
	v4 =	vimm.s32 $0x0  }
.LBB2_2:
0x3f: {  	p0 =	sne.s32 s0, $0x9B00;
	vm6 =	vgt.s32 v13, $0x0;
	vm7 =	vgt.s32 v10, $0x0;
	vm8 =	vgt.s32 v6, $0x0  }
0x40: {  	vm9 =	vgt.s32 v14, $0x0;
	vm10 =	vgt.s32 v11, $0x0;
	vm11 =	vgt.s32 v5, $0x0  }
0x41: {  	vm12 =	vgt.s32 v15, $0x0;
	vm13 =	vgt.s32 v12, $0x0;
	vm14 =	vgt.s32 v8, $0x0  }
0x42: {  	v5 =	vsel vm4, $0x1, v3;
	v6 =	vsel vm2, $0x1, v3;
	v8 =	vsel vm0, $0x1, v3  }
0x43: {  	v10 =	vsel vm5, $0x1, v3;
	v11 =	vsel vm3, $0x1, v3;
	v12 =	vsel vm1, $0x1, v3  }
0x44: {  	v13 =	vsel vm6, $0x1, v3;
	v14 =	vsel vm7, $0x1, v3;
	v15 =	vsel vm8, $0x1, v3  }
0x45: {  	v16 =	vsel vm9, $0x1, v3;
	v17 =	vsel vm10, $0x1, v3;
	v18 =	vsel vm11, $0x1, v3  }
0x46: {  	s2 =	sshra.s32 s0, $0x2;
	v19 =	vsel vm12, $0x1, v3;
	v20 =	vsel vm13, $0x1, v3;
	v21 =	vsel vm14, $0x1, v3  }
0x47: {  	v9 =	vadd.s32 v19, v9;
	v7 =	vadd.s32 v20, v7;
	v4 =	vadd.s32 v21, v4;
	v22 =	vld [tilespmem:s2+$0x40]  }
0x48: {  	v9 =	vadd.s32 v16, v9;
	v7 =	vadd.s32 v17, v7;
	v4 =	vadd.s32 v18, v4;
	v19 =	vld [tilespmem:s2+$0x30]  }
0x49: {  	v9 =	vadd.s32 v13, v9;
	v7 =	vadd.s32 v14, v7;
	v4 =	vadd.s32 v15, v4;
	v16 =	vld [tilespmem:s2+$0x20]  }
0x4a: {  	v9 =	vadd.s32 v10, v9;
	v7 =	vadd.s32 v11, v7;
	v4 =	vadd.s32 v12, v4;
	v15 =	vld [tilespmem:s2+$0x10]  }
0x4b: {  	v9 =	vadd.s32 v5, v9;
	v7 =	vadd.s32 v6, v7;
	v4 =	vadd.s32 v8, v4;
	v17 =	vld [tilespmem:s2+$0x0]  }
0x4c: {  	v18 =	vsub.s32 v0, v22;
	v20 =	vsub.s32 v1, v22;
	v21 =	vsub.s32 v2, v22  }
0x4d: {  	v22 =	vsub.s32 v0, v19;
	v23 =	vsub.s32 v1, v19;
	v19 =	vsub.s32 v2, v19  }
.Ltmp2:
0x4e: {  	v13 =	vsub.s32 v0, v16;
	v10 =	vsub.s32 v1, v16;
	v6 =	vsub.s32 v2, v16;
	(pc) =	sbr.rel @p0 .LBB2_2-.Ltmp2, $4  }
0x4f: {  	v14 =	vsub.s32 v0, v15;
	v11 =	vsub.s32 v1, v15;
	v5 =	vsub.s32 v2, v15  }
0x50: {  	v15 =	vsub.s32 v0, v17;
	v12 =	vsub.s32 v1, v17;
	v8 =	vsub.s32 v2, v17  }
0x51: {  	vm4 =	vgt.s32 v18, $0x0;
	vm2 =	vgt.s32 v20, $0x0;
	vm0 =	vgt.s32 v21, $0x0  }
0x52: {  	s0 =	sadd.s32 $0x140, s0;
	vm5 =	vgt.s32 v22, $0x0;
	vm3 =	vgt.s32 v23, $0x0;
	vm1 =	vgt.s32 v19, $0x0  }
0x53: {  	vm6 =	vgt.s32 v15, $0x0  }
0x54: {  	vm7 =	vgt.s32 v14, $0x0;
	v14 =	vsel vm6, $0x1, v3  }
0x55: {  	vm9 =	vgt.s32 v13, $0x0;
	v13 =	vsel vm7, $0x1, v3;
	v9 =	vadd.s32 v14, v9  }
0x56: {  	v14 =	vsel vm9, $0x1, v3;
	v9 =	vadd.s32 v13, v9  }
0x57: {  	v13 =	vsel vm5, $0x1, v3;
	v9 =	vadd.s32 v14, v9  }
0x58: {  	v14 =	vsel vm4, $0x1, v3;
	v9 =	vadd.s32 v13, v9  }
0x59: {  	v9 =	vadd.s32 v14, v9  }
0x5a: {  	(v2sf) =	vpush v9, $0x0  }
0x5b: {  	(v2sf) =	vpush v9, $0x1  }
0x5c: {  	(v2sf) =	vpush v9, $0x2  }
0x5d: {  	(v2sf) =	vpush v9, $0x3  }
0x5e: {  	(v2sf) =	vpush v9, $0x4  }
0x5f: {  	(v2sf) =	vpush v9, $0x5  }
0x60: {  	(v2sf) =	vpush v9, $0x6  }
0x61: {  	(v2sf) =	vpush v9, $0x7  }
0x62: {  	(v2sf) =	vpush v9, $0x8  }
0x63: {  	vm10 =	vgt.s32 v10, $0x0;
	vm11 =	vgt.s32 v12, $0x0;
	(v2sf) =	vpush v9, $0x9  }
0x64: {  	vm12 =	vgt.s32 v11, $0x0;
	v10 =	vsel vm11, $0x1, v3;
	(v2sf) =	vpush v9, $0xA  }
0x65: {  	v11 =	vsel vm12, $0x1, v3;
	v7 =	vadd.s32 v10, v7;
	(v2sf) =	vpush v9, $0xB  }
0x66: {  	v10 =	vsel vm10, $0x1, v3;
	v7 =	vadd.s32 v11, v7;
	(v2sf) =	vpush v9, $0xC  }
0x67: {  	v11 =	vsel vm3, $0x1, v3;
	v7 =	vadd.s32 v10, v7;
	(v2sf) =	vpush v9, $0xD  }
0x68: {  	v10 =	vsel vm2, $0x1, v3;
	v7 =	vadd.s32 v11, v7;
	(v2sf) =	vpush v9, $0xE  }
0x69: {  	v7 =	vadd.s32 v10, v7;
	s0 =	spop (v2sf);
	(v2sf) =	vpush v9, $0xF  }
0x6a: {  	s2 =	spop (v2sf);
	(v2sf) =	vpush v7, $0x0  }
0x6b: {  	s3 =	spop (v2sf);
	(v2sf) =	vpush v7, $0x1  }
0x6c: {  	s4 =	spop (v2sf);
	(v2sf) =	vpush v7, $0x2  }
0x6d: {  	s5 =	spop (v2sf);
	(v2sf) =	vpush v7, $0x3  }
0x6e: {  	s6 =	spop (v2sf);
	(v2sf) =	vpush v7, $0x4  }
0x6f: {  	s7 =	spop (v2sf);
	(v2sf) =	vpush v7, $0x5  }
0x70: {  	s8 =	spop (v2sf);
	(v2sf) =	vpush v7, $0x6  }
0x71: {  	s9 =	spop (v2sf);
	(v2sf) =	vpush v7, $0x7  }
0x72: {  	s10 =	spop (v2sf);
	(v2sf) =	vpush v7, $0x8  }
0x73: {  	vm13 =	vgt.s32 v6, $0x0;
	vm14 =	vgt.s32 v8, $0x0;
	s12 =	spop (v2sf);
	(v2sf) =	vpush v7, $0x9  }
0x74: {  	vm15 =	vgt.s32 v5, $0x0;
	v5 =	vsel vm14, $0x1, v3;
	s13 =	spop (v2sf);
	(v2sf) =	vpush v7, $0xA  }
0x75: {  	v6 =	vsel vm15, $0x1, v3;
	v4 =	vadd.s32 v5, v4;
	s14 =	spop (v2sf);
	(v2sf) =	vpush v7, $0xB  }
0x76: {  	v5 =	vsel vm13, $0x1, v3;
	v4 =	vadd.s32 v6, v4;
	s15 =	spop (v2sf);
	(v2sf) =	vpush v7, $0xC  }
0x77: {  	v6 =	vsel vm1, $0x1, v3;
	v4 =	vadd.s32 v5, v4;
	s16 =	spop (v2sf);
	(v2sf) =	vpush v7, $0xD  }
0x78: {  	v5 =	vsel vm0, $0x1, v3;
	v4 =	vadd.s32 v6, v4;
	s17 =	spop (v2sf);
	(v2sf) =	vpush v7, $0xE  }
0x79: {  	v4 =	vadd.s32 v5, v4;
	s18 =	spop (v2sf);
	(v2sf) =	vpush v7, $0xF  }
0x7a: {  	s26 =	spop (v2sf);
	(v2sf) =	vpush v4, $0x0  }
0x7b: {  	s0 =	sadd.s32 s2, s0;
	s19 =	spop (v2sf)  }
0x7c: {  	s0 =	sadd.s32 s3, s0;
	s2 =	sadd.s32 s26, s18;
	s20 =	spop (v2sf)  }
0x7d: {  	s0 =	sadd.s32 s4, s0;
	s2 =	sadd.s32 s19, s2;
	s21 =	spop (v2sf)  }
0x7e: {  	s0 =	sadd.s32 s5, s0;
	s2 =	sadd.s32 s20, s2;
	s22 =	spop (v2sf)  }
0x7f: {  	s0 =	sadd.s32 s6, s0;
	s2 =	sadd.s32 s21, s2;
	s23 =	spop (v2sf)  }
0x80: {  	s0 =	sadd.s32 s7, s0;
	(v2sf) =	vpush v4, $0x1;
	s2 =	sadd.s32 s22, s2;
	s24 =	spop (v2sf)  }
0x81: {  	s0 =	sadd.s32 s8, s0;
	(v2sf) =	vpush v4, $0x2;
	s2 =	sadd.s32 s23, s2;
	s25 =	spop (v2sf)  }
0x82: {  	s0 =	sadd.s32 s9, s0;
	(v2sf) =	vpush v4, $0x3;
	s2 =	sadd.s32 s24, s2;
	s26 =	spop (v2sf)  }
0x83: {  	s0 =	sadd.s32 s10, s0;
	(v2sf) =	vpush v4, $0x4;
	s2 =	sadd.s32 s25, s2;
	s4 =	spop (v2sf)  }
0x84: {  	s0 =	sadd.s32 s12, s0;
	(v2sf) =	vpush v4, $0x5;
	s2 =	sadd.s32 s26, s2;
	s5 =	spop (v2sf)  }
0x85: {  	s0 =	sadd.s32 s13, s0;
	(v2sf) =	vpush v4, $0x6;
	s2 =	sadd.s32 s4, s2;
	s6 =	spop (v2sf)  }
0x86: {  	s0 =	sadd.s32 s14, s0;
	(v2sf) =	vpush v4, $0x7;
	s2 =	sadd.s32 s5, s2;
	s7 =	spop (v2sf)  }
0x87: {  	s0 =	sadd.s32 s15, s0;
	(v2sf) =	vpush v4, $0x8;
	s2 =	sadd.s32 s6, s2;
	s8 =	spop (v2sf)  }
0x88: {  	s0 =	sadd.s32 s16, s0;
	s2 =	sadd.s32 s7, s2;
	s10 =	spop (v2sf)  }
0x89: {  	s14 =	sadd.s32 s17, s0;
	s9 =	sadd.s32 s8, s2;
	s12 =	spop (v2sf)  }
0x8a: {  	s8 =	sand.u32 $0xFFFFFFF8, s14;
	[dreg:$0x6] =	wrdreg s12;
	s12 =	sadd.s32 s10, s9  }
0x8b: {  	(v2sf) =	vpush v4, $0x9;
	s15 =	ssub.s32 s12, s8  }
0x8c: {  	s19 =	sadd.s32 $0x4F, s15  }
0x8d: {  	s25 =	smulhi.u32 $0x66666667, s19;
	s26 =	sshra.s32 s19, $0x1F  }
0x8e: {  	(v2sf) =	vpush v4, $0xA;
	s4 =	smul.u32 $0x66666667, s26  }
0x8f: {  	(v2sf) =	vpush v4, $0xB;
	s13 =	spop (v2sf)  }
0x90: {  	(v2sf) =	vpush v4, $0xC;
	s16 =	spop (v2sf);
	s3 =	sadd.s32 s4, s25  }
0x91: {  	(v2sf) =	vpush v4, $0xD;
	s17 =	spop (v2sf);
	s4 =	sshrl.u32 s3, $0x1F;
	s3 =	sshra.s32 s3, $0x5  }
0x92: {  	(v2sf) =	vpush v4, $0xE;
	s18 =	spop (v2sf);
	s3 =	sadd.s32 s4, s3  }
0x93: {  	(v2sf) =	vpush v4, $0xF;
	s29 =	ssub.s32 s12, s14;
	s20 =	spop (v2sf);
	s4 =	smul.u32 $0xFFFFFFB0, s3  }
0x94: {  	s0 =	ssub.s32 $0xFFFFFFB1, s15;
	s2 =	smov.u32 s29;
	s21 =	spop (v2sf)  }
0x95: {  	p0 =	slt.s32 s19, $0x1;
	s22 =	spop (v2sf);
	p1 =	sne.s32 s4, s0  }
0x96: {  	s23 =	spop (v2sf);
	p1 =	por !p0, !p1;
	p0 =	slt.s32 s29, $0x1  }
0x97: {  	s0 =	simm.s32 $0x1;
	p1 =	por !p1, !p1;
	p2 =	slt.s32 @!p0 s8, $0x26C0  }
0x98: {  	s4 =	smov.u32 s8;
	s0 =	simm.s32 @!p1 $0x0;
	p1 =	por !p2, p0  }
0x99: {  	s2 =	simm.s32 @!p0 $0x1;
	s0 =	ssub.s32 s3, s0;
	s4 =	simm.s32 @p1 $0x26C0  }
0x9a: {  	s24 =	spop (v2sf);
	s3 =	smul.u32 s2, s0;
	s0 =	sshll.u32 @!p0 s4, $0x5  }
0x9b: {  	s2 =	simm.s32 @!p0 $0x0;
	s4 =	simm.s32 @!p0 $0x2780;
	s0 =	sadd.s32 @!p0 s1, s0  }
0x9c: {  	[tilespmem:s4], [sflag:$0x1] =	stream.linear.gather @!p0 [hbm4b:s0+s2], $0x5000, $0x38;
	[tilespmem:$0xC980] =	vst v63  }
0x9d: {  	v19 =	vimm.f32 $0.0e+00;
	v20 =	vimm.f32 $0.0e+00;
	s25 =	spop (v2sf);
	p0 =	slt.s32 s3, $0x1  }
.Ltmp3:
0x9e: {  	v18 =	vimm.f32 $0.0e+00;
	v17 =	vimm.f32 $0.0e+00;
	v16 =	vimm.f32 $0.0e+00;
	s26 =	spop (v2sf);
	(pc) =	sbr.rel @p0 .LBB2_10-.Ltmp3, $4  }
0x9f: {  	v15 =	vimm.f32 $0.0e+00;
	v12 =	vimm.f32 $0.0e+00;
	v8 =	vimm.f32 $0.0e+00;
	s28 =	spop (v2sf)  }
0xa0: {  	v13 =	vimm.f32 $0.0e+00;
	v11 =	vimm.f32 $0.0e+00;
	v6 =	vimm.f32 $0.0e+00;
	s30 =	spop (v2sf)  }
0xa1: {  	v14 =	vimm.f32 $0.0e+00;
	v10 =	vimm.f32 $0.0e+00;
	v5 =	vimm.f32 $0.0e+00;
	s31 =	spop (v2sf)  }
0xa2: {  	v9 =	vimm.f32 $0.0e+00;
	v7 =	vimm.f32 $0.0e+00;
	v4 =	vimm.f32 $0.0e+00;
	[dreg:$0x7] =	wrdreg s13;
	s0 =	spop (v2sf)  }
0xa3: {  	v5 =	vimm.f32 $0.0e+00  }
.Ltmp4:
0xa4: {  	v6 =	vimm.f32 $0.0e+00;
	v7 =	vimm.f32 $0.0e+00;
	v8 =	vimm.f32 $0.0e+00;
	(pc) =	sbr.rel .LBB2_6-.Ltmp4, $4  }
0xa5: {  	v9 =	vimm.f32 $0.0e+00;
	v10 =	vimm.f32 $0.0e+00;
	v11 =	vimm.f32 $0.0e+00  }
0xa6: {  	v12 =	vimm.f32 $0.0e+00;
	v13 =	vimm.f32 $0.0e+00;
	v14 =	vimm.f32 $0.0e+00  }
0xa7: {  	v15 =	vimm.f32 $0.0e+00;
	v16 =	vimm.f32 $0.0e+00;
	v17 =	vimm.f32 $0.0e+00  }
0xa8: {  	s2 =	simm.s32 $0x0;
	s19 =	smov.u32 s8;
	v18 =	vimm.f32 $0.0e+00;
	v20 =	vimm.f32 $0.0e+00;
	v19 =	vimm.f32 $0.0e+00  }
.LBB2_9:
0xa9: {  	v26 =	vld [tilespmem:s5+$0x440]  }
0xaa: {  	v27 =	vld [tilespmem:s5+$0x450]  }
0xab: {  	v28 =	vld [tilespmem:s5+$0x460];
	_ =	sdelay $0x1  }
0xac: {  	v13 =	vadd.f32 v22, v13;
	v12 =	vadd.f32 v21, v12  }
0xad: {  	v11 =	vadd.f32 v23, v11;
	v10 =	vadd.f32 v24, v10  }
0xae: {  	v9 =	vadd.f32 v25, v9;
	v8 =	vadd.f32 v26, v8  }
0xaf: {  	v7 =	vadd.f32 v27, v7;
	v6 =	vadd.f32 v28, v6  }
.LBB2_5:
0xb0: {  	p0 =	seq.s32 s2, s3  }
.Ltmp5:
0xb1: {  	_ = 	snop;
	(pc) =	sbr.rel @p0 .LBB2_10-.Ltmp5, $2  }
0xb2: {  	_ =	sdelay $0x2  }
0xb3: {  	s19 =	sadd.s32 $0x50, s19  }
.LBB2_6:
0xb4: {  	s5 =	sand.u32 $0x1, s2;
	s4 =	smul.u32 $0x50, s2;
	s2 =	sadd.s32 $0x1, s2  }
0xb5: {  	p0 =	sge.s32 s2, s3  }
0xb6: {  	s6 =	smul.u32 @!p0 $0x50, s2;
	_ =	sdelay $0x1  }
0xb7: {  	s9 =	sadd.s32 $0x1, s5;
	s6 =	sadd.s32 @!p0 s8, s6  }
0xb8: {  	s7 =	sand.u32 @!p0 $0x1, s2;
	s4 =	sadd.s32 s8, s4;
	p1 =	slt.s32 @!p0 s6, $0x26C0  }
0xb9: {  	_ =	swait.ge [sflag:s9], $0x5000;
	s10 =	smul.u32 @!p0 $0x14000, s7;
	p1 =	por !p1, p0  }
0xba: {  	[sflag:s9] =	ssyncset.done $0x0;
	s7 =	sadd.s32 @!p0 $0x1, s7;
	s6 =	simm.s32 @p1 $0x26C0  }
0xbb: {  	[sflag:s9] =	ssyncadd.s32 $0xFFFFB000;
	s10 =	sshrl.u32 @!p0 s10, $0x2;
	s6 =	sshll.u32 @!p0 s6, $0x5  }
0xbc: {  	s9 =	sadd.s32 @!p0 $0x2780, s10;
	s10 =	simm.s32 @!p0 $0x0;
	s6 =	sadd.s32 @!p0 s1, s6  }
0xbd: {  	[tilespmem:s9], [sflag:s7] =	stream.linear.gather @!p0 [hbm4b:s6+s10], $0x5000, $0x38;
	[tilespmem:$0xC980] =	vst v63  }
0xbe: {  	p0 =	slt.s32 s4, $0x26C0;
	s7 =	smov.u32 s4;
	s9 =	sadd.s32 $0x50, s4  }
0xbf: {  	s7 =	simm.s32 @!p0 $0x26C0;
	p0 =	sgt.s32 s14, s4;
	p1 =	slt.s32 s12, s9  }
0xc0: {  	s4 =	smov.u32 @p0 s14;
	s9 =	smov.u32 @p1 s12  }
0xc1: {  	s6 =	ssub.s32 s4, s7;
	s4 =	ssub.s32 s9, s7  }
0xc2: {  	p0 =	sge.s32 s6, s4  }
.Ltmp6:
0xc3: {  	_ = 	snop;
	(pc) =	sbr.rel @p0 .LBB2_5-.Ltmp6, $1  }
0xc4: {  	_ =	sdelay $0x3  }
0xc5: {  	p0 =	sgt.s32 s19, s14;
	s7 =	smov.u32 s14  }
0xc6: {  	s9 =	smov.u32 s19;
	s7 =	smov.u32 @p0 s19;
	p0 =	slt.s32 s19, $0x26C0  }
0xc7: {  	s5 =	smul.u32 $0x14000, s5;
	s9 =	simm.s32 @!p0 $0x26C0  }
0xc8: {  	s10 =	sshll.u32 s7, $0x7;
	s7 =	sshll.u32 s7, $0x8;
	s13 =	sshll.u32 s9, $0x8  }
0xc9: {  	s5 =	sshrl.u32 s5, $0x2;
	s9 =	sshll.u32 s9, $0x7;
	s7 =	ssub.s32 s7, s13  }
0xca: {  	s9 =	ssub.s32 s10, s9;
	s10 =	sadd.s32 $0x2780, s5;
	s13 =	sand.u32 $0xFFFFF800, s7  }
0xcb: {  	s15 =	sand.u32 $0x380, s9;
	s5 =	sadd.s32 s13, s10  }
0xcc: {  	s5 =	sadd.s32 s15, s5  }
0xcd: {  	v21 =	vld [tilespmem:s5+$0x470]  }
0xce: {  	v23 =	vld [tilespmem:s5+$0x0]  }
0xcf: {  	v24 =	vld [tilespmem:s5+$0x10]  }
0xd0: {  	v25 =	vld [tilespmem:s5+$0x20]  }
0xd1: {  	v26 =	vld [tilespmem:s5+$0x30]  }
0xd2: {  	v27 =	vld [tilespmem:s5+$0x40]  }
0xd3: {  	s6 =	sadd.s32 $0x1, s6;
	v28 =	vld [tilespmem:s5+$0x50]  }
0xd4: {  	p0 =	slt.s32 s6, s4;
	v29 =	vld [tilespmem:s5+$0x60]  }
.Ltmp7:
0xd5: {  	v22 =	vld [tilespmem:s5+$0x70];
	(pc) =	sbr.rel @!p0 .LBB2_9-.Ltmp7, $4  }
0xd6: {  	v5 =	vadd.f32 v21, v5;
	v19 =	vadd.f32 v23, v19;
	v21 =	vld [tilespmem:s5+$0x400]  }
0xd7: {  	v20 =	vadd.f32 v24, v20;
	v18 =	vadd.f32 v25, v18;
	v23 =	vld [tilespmem:s5+$0x410]  }
0xd8: {  	v17 =	vadd.f32 v26, v17;
	v16 =	vadd.f32 v27, v16;
	v24 =	vld [tilespmem:s5+$0x420]  }
0xd9: {  	s7 =	sadd.s32 $0x100, s7;
	v15 =	vadd.f32 v28, v15;
	v25 =	vld [tilespmem:s5+$0x430];
	v14 =	vadd.f32 v29, v14  }
.LBB2_8:
0xda: {  	s13 =	sand.u32 $0xFFFFF800, s7;
	s6 =	sadd.s32 $0x1, s6;
	v26 =	vld [tilespmem:s5+$0x440];
	v13 =	vadd.f32 v22, v13;
	s9 =	sadd.s32 $0x80, s9  }
0xdb: {  	v12 =	vadd.f32 v21, v12;
	s15 =	sand.u32 $0x380, s9;
	s13 =	sadd.s32 s13, s10;
	p0 =	slt.s32 s6, s4;
	v22 =	vld [tilespmem:s5+$0x450]  }
0xdc: {  	v11 =	vadd.f32 v23, v11;
	v21 =	vld [tilespmem:s5+$0x460];
	s5 =	sadd.s32 s15, s13  }
0xdd: {  	v10 =	vadd.f32 v24, v10;
	v23 =	vld [tilespmem:s5+$0x470]  }
0xde: {  	v9 =	vadd.f32 v25, v9;
	v24 =	vld [tilespmem:s5+$0x0]  }
0xdf: {  	v25 =	vld [tilespmem:s5+$0x10];
	v8 =	vadd.f32 v26, v8  }
0xe0: {  	v26 =	vld [tilespmem:s5+$0x20];
	v7 =	vadd.f32 v22, v7  }
0xe1: {  	v27 =	vld [tilespmem:s5+$0x30];
	v6 =	vadd.f32 v21, v6  }
0xe2: {  	v28 =	vld [tilespmem:s5+$0x40];
	v5 =	vadd.f32 v23, v5  }
0xe3: {  	v29 =	vld [tilespmem:s5+$0x50];
	v19 =	vadd.f32 v24, v19  }
0xe4: {  	v30 =	vld [tilespmem:s5+$0x60];
	v20 =	vadd.f32 v25, v20  }
.Ltmp8:
0xe5: {  	v22 =	vld [tilespmem:s5+$0x70];
	v18 =	vadd.f32 v26, v18;
	(pc) =	sbr.rel @p0 .LBB2_8-.Ltmp8, $4  }
0xe6: {  	v21 =	vld [tilespmem:s5+$0x400];
	v17 =	vadd.f32 v27, v17  }
0xe7: {  	v23 =	vld [tilespmem:s5+$0x410];
	v16 =	vadd.f32 v28, v16  }
0xe8: {  	v24 =	vld [tilespmem:s5+$0x420];
	v15 =	vadd.f32 v29, v15  }
0xe9: {  	s7 =	sadd.s32 $0x100, s7;
	v25 =	vld [tilespmem:s5+$0x430];
	v14 =	vadd.f32 v30, v14  }
.Ltmp9:
0xea: {  	_ = 	snop;
	(pc) =	sbr.rel .LBB2_9-.Ltmp9, $1  }
0xeb: {  	_ =	sdelay $0x3  }
.LBB2_10:
0xec: {  	p0 =	sgt.s32 s29, $0x1  }
0xed: {  	s2 =	rddreg [dreg:$0x6];
	s29 =	simm.s32 @!p0 $0x1  }
0xee: {  	s3 =	rddreg [dreg:$0x7];
	v21 =	vmov s29  }
0xef: {  	s2 =	sadd.s32 s3, s2;
	v21 =	vcvt.s32.f32 v21  }
0xf0: {  	s2 =	sadd.s32 s16, s2  }
0xf1: {  	s2 =	sadd.s32 s17, s2;
	v21 =	vbroadcast v21, $0x0  }
0xf2: {  	s2 =	sadd.s32 s18, s2  }
0xf3: {  	s2 =	sadd.s32 s20, s2;
	(erf) = vrcp.f32 v21  }
0xf4: {  	s2 =	sadd.s32 s21, s2  }
0xf5: {  	s2 =	sadd.s32 s22, s2  }
0xf6: {  	s2 =	sadd.s32 s23, s2  }
0xf7: {  	s2 =	sadd.s32 s24, s2  }
0xf8: {  	s2 =	sadd.s32 s25, s2  }
0xf9: {  	s2 =	sadd.s32 s26, s2  }
0xfa: {  	s2 =	sadd.s32 s28, s2  }
0xfb: {  	s2 =	sadd.s32 s30, s2  }
0xfc: {  	s2 =	sadd.s32 s31, s2;
	v21 =	vpop (erf)  }
0xfd: {  	s14 =	sand.u32 $0xFFFFFFF8, s12;
	s13 =	sadd.s32 s0, s2;
	v19 =	vmul.f32 v19, v21  }
0xfe: {  	s0 =	ssub.s32 s13, s14;
	v20 =	vmul.f32 v20, v21  }
0xff: {  	v18 =	vmul.f32 v18, v21;
	s30 =	sadd.s32 $0x4F, s0;
	[tilespmem:$0xC780] =	vst v19  }
0x100: {  	v17 =	vmul.f32 v17, v21;
	s31 =	smulhi.u32 $0x66666667, s30;
	s4 =	sshra.s32 s30, $0x1F;
	[tilespmem:$0xC790] =	vst v20  }
0x101: {  	v16 =	vmul.f32 v16, v21;
	[tilespmem:$0xC7A0] =	vst v18;
	s4 =	smul.u32 $0x66666667, s4  }
0x102: {  	v15 =	vmul.f32 v15, v21;
	[tilespmem:$0xC7B0] =	vst v17  }
0x103: {  	v14 =	vmul.f32 v14, v21;
	[tilespmem:$0xC7C0] =	vst v16;
	s3 =	sadd.s32 s4, s31  }
0x104: {  	v13 =	vmul.f32 v13, v21;
	[tilespmem:$0xC7D0] =	vst v15;
	s4 =	sshrl.u32 s3, $0x1F;
	s3 =	sshra.s32 s3, $0x5  }
0x105: {  	v12 =	vmul.f32 v12, v21;
	[tilespmem:$0xC7E0] =	vst v14;
	s3 =	sadd.s32 s4, s3  }
0x106: {  	v11 =	vmul.f32 v11, v21;
	[tilespmem:$0xC7F0] =	vst v13;
	s4 =	smul.u32 $0xFFFFFFB0, s3  }
0x107: {  	v10 =	vmul.f32 v10, v21;
	s0 =	ssub.s32 $0xFFFFFFB1, s0;
	[tilespmem:$0xC880] =	vst v12  }
0x108: {  	s15 =	ssub.s32 s13, s12;
	v9 =	vmul.f32 v9, v21;
	p6 =	slt.s32 s30, $0x1;
	[tilespmem:$0xC890] =	vst v11;
	p1 =	sne.s32 s4, s0  }
0x109: {  	v8 =	vmul.f32 v8, v21;
	p0 =	slt.s32 s15, $0x1;
	s2 =	smov.u32 s15;
	[tilespmem:$0xC8A0] =	vst v10;
	p1 =	por !p6, !p1  }
0x10a: {  	v7 =	vmul.f32 v7, v21;
	p2 =	slt.s32 @!p0 s14, $0x26C0;
	[tilespmem:$0xC8B0] =	vst v9;
	s0 =	simm.s32 $0x1;
	p1 =	por !p1, !p1  }
0x10b: {  	v6 =	vmul.f32 v6, v21;
	[tilespmem:$0xC8C0] =	vst v8;
	s4 =	smov.u32 s14;
	s0 =	simm.s32 @!p1 $0x0;
	p1 =	por !p2, p0  }
0x10c: {  	v5 =	vmul.f32 v5, v21;
	s2 =	simm.s32 @!p0 $0x1;
	[tilespmem:$0xC8D0] =	vst v7;
	s0 =	ssub.s32 s3, s0;
	s4 =	simm.s32 @p1 $0x26C0  }
0x10d: {  	[tilespmem:$0xC8E0] =	vst v6;
	s0 =	smul.u32 s2, s0;
	s2 =	sshll.u32 @!p0 s4, $0x5  }
0x10e: {  	[tilespmem:$0xC8F0] =	vst v5;
	s3 =	simm.s32 @!p0 $0x0;
	s4 =	simm.s32 @!p0 $0x2780;
	s2 =	sadd.s32 @!p0 s1, s2  }
0x10f: {  	[tilespmem:s4], [sflag:$0x1] =	stream.linear.gather @!p0 [hbm4b:s2+s3], $0x5000, $0x38;
	[tilespmem:$0xC980] =	vst v63  }
0x110: {  	p0 =	slt.s32 s0, $0x1  }
.Ltmp10:
0x111: {  	v19 =	vimm.f32 $0.0e+00;
	v18 =	vimm.f32 $0.0e+00;
	v16 =	vimm.f32 $0.0e+00;
	(pc) =	sbr.rel @p0 .LBB2_17-.Ltmp10, $4  }
0x112: {  	v17 =	vimm.f32 $0.0e+00;
	v15 =	vimm.f32 $0.0e+00;
	v14 =	vimm.f32 $0.0e+00  }
0x113: {  	v13 =	vimm.f32 $0.0e+00;
	v12 =	vimm.f32 $0.0e+00;
	v11 =	vimm.f32 $0.0e+00  }
0x114: {  	v10 =	vimm.f32 $0.0e+00;
	v9 =	vimm.f32 $0.0e+00;
	v8 =	vimm.f32 $0.0e+00  }
0x115: {  	v7 =	vimm.f32 $0.0e+00;
	v6 =	vimm.f32 $0.0e+00;
	v5 =	vimm.f32 $0.0e+00  }
0x116: {  	v5 =	vimm.f32 $0.0e+00  }
.Ltmp11:
0x117: {  	v6 =	vimm.f32 $0.0e+00;
	v7 =	vimm.f32 $0.0e+00;
	v8 =	vimm.f32 $0.0e+00;
	(pc) =	sbr.rel .LBB2_13-.Ltmp11, $4  }
0x118: {  	v9 =	vimm.f32 $0.0e+00;
	v10 =	vimm.f32 $0.0e+00;
	v11 =	vimm.f32 $0.0e+00  }
0x119: {  	v12 =	vimm.f32 $0.0e+00;
	v13 =	vimm.f32 $0.0e+00;
	v14 =	vimm.f32 $0.0e+00  }
0x11a: {  	v15 =	vimm.f32 $0.0e+00;
	v17 =	vimm.f32 $0.0e+00;
	v16 =	vimm.f32 $0.0e+00  }
0x11b: {  	s2 =	simm.s32 $0x0;
	s3 =	smov.u32 s14;
	v18 =	vimm.f32 $0.0e+00;
	v19 =	vimm.f32 $0.0e+00;
	v4 =	vimm.f32 $0.0e+00  }
.LBB2_16:
0x11c: {  	v25 =	vld [tilespmem:s5+$0x440]  }
0x11d: {  	v26 =	vld [tilespmem:s5+$0x450]  }
0x11e: {  	v27 =	vld [tilespmem:s5+$0x460];
	_ =	sdelay $0x1  }
0x11f: {  	v13 =	vadd.f32 v21, v13;
	v12 =	vadd.f32 v20, v12  }
0x120: {  	v11 =	vadd.f32 v22, v11;
	v10 =	vadd.f32 v23, v10  }
0x121: {  	v9 =	vadd.f32 v24, v9;
	v8 =	vadd.f32 v25, v8  }
0x122: {  	v7 =	vadd.f32 v26, v7;
	v6 =	vadd.f32 v27, v6  }
.LBB2_12:
0x123: {  	p0 =	seq.s32 s2, s0  }
.Ltmp12:
0x124: {  	_ = 	snop;
	(pc) =	sbr.rel @p0 .LBB2_17-.Ltmp12, $2  }
0x125: {  	_ =	sdelay $0x2  }
0x126: {  	s3 =	sadd.s32 $0x50, s3  }
.LBB2_13:
0x127: {  	s5 =	sand.u32 $0x1, s2;
	s4 =	smul.u32 $0x50, s2;
	s2 =	sadd.s32 $0x1, s2  }
0x128: {  	p0 =	sge.s32 s2, s0  }
0x129: {  	s6 =	smul.u32 @!p0 $0x50, s2;
	_ =	sdelay $0x1  }
0x12a: {  	s8 =	sadd.s32 $0x1, s5;
	s6 =	sadd.s32 @!p0 s14, s6  }
0x12b: {  	s7 =	sand.u32 @!p0 $0x1, s2;
	s4 =	sadd.s32 s14, s4;
	p1 =	slt.s32 @!p0 s6, $0x26C0  }
0x12c: {  	_ =	swait.ge [sflag:s8], $0x5000;
	s9 =	smul.u32 @!p0 $0x14000, s7;
	p1 =	por !p1, p0  }
0x12d: {  	[sflag:s8] =	ssyncset.done $0x0;
	s7 =	sadd.s32 @!p0 $0x1, s7;
	s6 =	simm.s32 @p1 $0x26C0  }
0x12e: {  	[sflag:s8] =	ssyncadd.s32 $0xFFFFB000;
	s9 =	sshrl.u32 @!p0 s9, $0x2;
	s6 =	sshll.u32 @!p0 s6, $0x5  }
0x12f: {  	s8 =	sadd.s32 @!p0 $0x2780, s9;
	s9 =	simm.s32 @!p0 $0x0;
	s6 =	sadd.s32 @!p0 s1, s6  }
0x130: {  	[tilespmem:s8], [sflag:s7] =	stream.linear.gather @!p0 [hbm4b:s6+s9], $0x5000, $0x38;
	[tilespmem:$0xC980] =	vst v63  }
0x131: {  	p0 =	slt.s32 s4, $0x26C0;
	s7 =	smov.u32 s4;
	s8 =	sadd.s32 $0x50, s4  }
0x132: {  	s7 =	simm.s32 @!p0 $0x26C0;
	p0 =	sgt.s32 s12, s4;
	p1 =	slt.s32 s13, s8  }
0x133: {  	s4 =	smov.u32 @p0 s12;
	s8 =	smov.u32 @p1 s13  }
0x134: {  	s6 =	ssub.s32 s4, s7;
	s4 =	ssub.s32 s8, s7  }
0x135: {  	p0 =	sge.s32 s6, s4  }
.Ltmp13:
0x136: {  	_ = 	snop;
	(pc) =	sbr.rel @p0 .LBB2_12-.Ltmp13, $1  }
0x137: {  	_ =	sdelay $0x3  }
0x138: {  	p0 =	sgt.s32 s3, s12;
	s7 =	smov.u32 s12  }
0x139: {  	s8 =	smov.u32 s3;
	s7 =	smov.u32 @p0 s3;
	p0 =	slt.s32 s3, $0x26C0  }
0x13a: {  	s5 =	smul.u32 $0x14000, s5;
	s8 =	simm.s32 @!p0 $0x26C0  }
0x13b: {  	s9 =	sshll.u32 s7, $0x7;
	s7 =	sshll.u32 s7, $0x8;
	s10 =	sshll.u32 s8, $0x8  }
0x13c: {  	s5 =	sshrl.u32 s5, $0x2;
	s8 =	sshll.u32 s8, $0x7;
	s7 =	ssub.s32 s7, s10  }
0x13d: {  	s8 =	ssub.s32 s9, s8;
	s9 =	sadd.s32 $0x2780, s5;
	s30 =	sand.u32 $0xFFFFF800, s7  }
0x13e: {  	s31 =	sand.u32 $0x380, s8;
	s5 =	sadd.s32 s30, s9  }
0x13f: {  	s5 =	sadd.s32 s31, s5  }
0x140: {  	v20 =	vld [tilespmem:s5+$0x470]  }
0x141: {  	v22 =	vld [tilespmem:s5+$0x0]  }
0x142: {  	v23 =	vld [tilespmem:s5+$0x10]  }
0x143: {  	v24 =	vld [tilespmem:s5+$0x20]  }
0x144: {  	v25 =	vld [tilespmem:s5+$0x30]  }
0x145: {  	v26 =	vld [tilespmem:s5+$0x40]  }
0x146: {  	s6 =	sadd.s32 $0x1, s6;
	v27 =	vld [tilespmem:s5+$0x50]  }
0x147: {  	p0 =	slt.s32 s6, s4;
	v28 =	vld [tilespmem:s5+$0x60]  }
.Ltmp14:
0x148: {  	v21 =	vld [tilespmem:s5+$0x70];
	(pc) =	sbr.rel @!p0 .LBB2_16-.Ltmp14, $4  }
0x149: {  	v5 =	vadd.f32 v20, v5;
	v4 =	vadd.f32 v22, v4;
	v20 =	vld [tilespmem:s5+$0x400]  }
0x14a: {  	v19 =	vadd.f32 v23, v19;
	v18 =	vadd.f32 v24, v18;
	v22 =	vld [tilespmem:s5+$0x410]  }
0x14b: {  	v16 =	vadd.f32 v25, v16;
	v17 =	vadd.f32 v26, v17;
	v23 =	vld [tilespmem:s5+$0x420]  }
0x14c: {  	s7 =	sadd.s32 $0x100, s7;
	v15 =	vadd.f32 v27, v15;
	v24 =	vld [tilespmem:s5+$0x430];
	v14 =	vadd.f32 v28, v14  }
.LBB2_15:
0x14d: {  	s10 =	sand.u32 $0xFFFFF800, s7;
	s6 =	sadd.s32 $0x1, s6;
	v25 =	vld [tilespmem:s5+$0x440];
	v13 =	vadd.f32 v21, v13;
	s8 =	sadd.s32 $0x80, s8  }
0x14e: {  	v12 =	vadd.f32 v20, v12;
	s16 =	sand.u32 $0x380, s8;
	s10 =	sadd.s32 s10, s9;
	p0 =	slt.s32 s6, s4;
	v21 =	vld [tilespmem:s5+$0x450]  }
0x14f: {  	v11 =	vadd.f32 v22, v11;
	v20 =	vld [tilespmem:s5+$0x460];
	s5 =	sadd.s32 s16, s10  }
0x150: {  	v10 =	vadd.f32 v23, v10;
	v22 =	vld [tilespmem:s5+$0x470]  }
0x151: {  	v9 =	vadd.f32 v24, v9;
	v23 =	vld [tilespmem:s5+$0x0]  }
0x152: {  	v24 =	vld [tilespmem:s5+$0x10];
	v8 =	vadd.f32 v25, v8  }
0x153: {  	v25 =	vld [tilespmem:s5+$0x20];
	v7 =	vadd.f32 v21, v7  }
0x154: {  	v26 =	vld [tilespmem:s5+$0x30];
	v6 =	vadd.f32 v20, v6  }
0x155: {  	v27 =	vld [tilespmem:s5+$0x40];
	v5 =	vadd.f32 v22, v5  }
0x156: {  	v28 =	vld [tilespmem:s5+$0x50];
	v4 =	vadd.f32 v23, v4  }
0x157: {  	v29 =	vld [tilespmem:s5+$0x60];
	v19 =	vadd.f32 v24, v19  }
.Ltmp15:
0x158: {  	v21 =	vld [tilespmem:s5+$0x70];
	v18 =	vadd.f32 v25, v18;
	(pc) =	sbr.rel @p0 .LBB2_15-.Ltmp15, $4  }
0x159: {  	v20 =	vld [tilespmem:s5+$0x400];
	v16 =	vadd.f32 v26, v16  }
0x15a: {  	v22 =	vld [tilespmem:s5+$0x410];
	v17 =	vadd.f32 v27, v17  }
0x15b: {  	v23 =	vld [tilespmem:s5+$0x420];
	v15 =	vadd.f32 v28, v15  }
0x15c: {  	s7 =	sadd.s32 $0x100, s7;
	v24 =	vld [tilespmem:s5+$0x430];
	v14 =	vadd.f32 v29, v14  }
.Ltmp16:
0x15d: {  	_ = 	snop;
	(pc) =	sbr.rel .LBB2_16-.Ltmp16, $1  }
0x15e: {  	_ =	sdelay $0x3  }
.LBB2_18:
0x15f: {  	_ =	sfence.sel $0x180000  }
0x160: {  	[bflag:$0x0] =	sbarrier.arrive $0xFFFF  }
0x161: {  	_ =	strace $0x90000047  }
0x162: {  	s0 =	stileid.u32;
	[bflag:$0x2] =	sbarrier.arrive $0xFFFF  }
0x163: {  	p0 =	sne.s32 s0, $0x0;
	s0 =	rddreg [dreg:$0x3]  }
0x164: {  	s0 =	sadd.s32 @!p0 $0x100000, s0  }
0x165: {  	[sflag:s0] =	ssyncadd.tile.s32 @!p0 $0x1;
	_ =	shalt  }
.Lfunc_end2:
_tile_overlayer_lowered:
.L_overlay_start_2:
0x166: {  	(tag) =	ssettag $0x2  }
0x167: {  	s0 =	rddreg [dreg:$0x0];
	s2 =	stileid.u32  }
0x168: {  	s1 =	rddreg [dreg:$0x1];
	p0 =	sne.s32 s2, $0x0  }
0x169: {  	s3 =	rddreg [dreg:$0x2];
	[bflag:$0x3] =	sbarrier.arrive $0xFFFF;
	s2 =	simm.s32 @!p0 $0x1C03  }
0x16a: {  	[timem:s3], [sflag:s2] =	dma.local @!p0 [hbm:s0], s1  }
0x16b: {  	s0 =	simm.s32 @!p0 $0x3  }
0x16c: {  	_ =	swait.ge @!p0 [sflag:s0], s1  }
0x16d: {  	s1 =	ssub.s32 @!p0 $0x0, s1;
	[sflag:s0] =	ssyncset.done @!p0 $0x0  }
0x16e: {  	[sflag:s0] =	ssyncadd.s32 @!p0 s1  }
0x16f: {  	[bflag:$0x3] =	sbarrier.arrive $0xFFFF  }
0x170: {  	_ =	shalt  }

</sc_bundles>
